<compile_context>
chip_gen: v7x
topology: tpu7x:2x2x1
jax: 0.10.2.dev20260603
libtpu: 0.0.44.dev20260713+nightly
codegen_flags: <defaults>
</compile_context>

<pallas_src>
import functools

import jax
import jax.numpy as jnp
from jax import lax
from jax.experimental import pallas as pl
from jax.experimental.pallas import tpu as pltpu
from jax.experimental.pallas import tpu_sc as plsc

N, K, D = 16384, 64, 64
BLK = 512
GB = 512
NGB = N // GB
NW = 32
PW = N // NW


def _stage_a(x_ref, c_ref, lt_ref,
             pos_ref, counts_ref, sums_ref, off_ref, xp_ref,
             pred_s, posl_s, *, nblk):
    p = pl.program_id(0)
    i = pl.program_id(1)

    @pl.when((p == 0) & (i == 0))
    def _init():
        counts_ref[:, :] = jnp.zeros_like(counts_ref)
        sums_ref[:, :] = jnp.zeros_like(sums_ref)

    kio = lax.broadcasted_iota(jnp.int32, (K, BLK), 0)

    @pl.when(p == 0)
    def _phase0():
        xb = x_ref[:, :]
        c = c_ref[:, :]

        cn = jnp.sum(c * c, axis=1, keepdims=True)
        d2 = cn - 2.0 * lax.dot_general(
            c, xb, (((1,), (1,)), ((), ())),
            preferred_element_type=jnp.float32)

        dmin = jnp.min(d2, axis=0, keepdims=True)
        pred = jnp.min(jnp.where(d2 <= dmin, kio, K), axis=0, keepdims=True)
        oh = (kio == pred).astype(jnp.float32)
        oh_bf = oh.astype(jnp.bfloat16)

        cum = jnp.dot(oh_bf, lt_ref[:, :], preferred_element_type=jnp.float32)
        carry = counts_ref[:, :]
        chi = jnp.floor(carry * (1.0 / 128.0))
        clo = carry - chi * 128.0
        cumhi = jnp.floor(cum * (1.0 / 128.0))
        cumlo = cum - cumhi * 128.0
        hi_t = (cumhi + chi).astype(jnp.bfloat16)
        lo_t = (cumlo + clo).astype(jnp.bfloat16)
        ones_bf = jnp.ones((1, K), jnp.bfloat16)
        posl = (128.0 * jnp.dot(ones_bf, oh_bf * hi_t,
                                preferred_element_type=jnp.float32)
                + jnp.dot(ones_bf, oh_bf * lo_t,
                          preferred_element_type=jnp.float32))

        pred_s[pl.ds(i, 1), :] = pred
        posl_s[pl.ds(i, 1), :] = posl.astype(jnp.int32)

        counts_ref[:, :] = carry + jnp.dot(oh_bf,
                                           jnp.ones((BLK, 1), jnp.bfloat16),
                                           preferred_element_type=jnp.float32)
        sums_ref[:, :] += jnp.dot(oh_bf, xb.astype(jnp.bfloat16),
                                  preferred_element_type=jnp.float32)

        @pl.when(i == nblk - 1)
        def _epilogue():
            lk = (lax.broadcasted_iota(jnp.int32, (K, K), 1)
                  < lax.broadcasted_iota(jnp.int32, (K, K), 0)
                  ).astype(jnp.float32)
            off_ref[:, :] = jnp.dot(lk, counts_ref[:, :],
                                    preferred_element_type=jnp.float32)

    @pl.when(p == 1)
    def _phase1():
        predb = pred_s[pl.ds(i, 1), :]
        poslb = posl_s[pl.ds(i, 1), :]
        ohb1 = kio == predb
        oh_bf = ohb1.astype(jnp.bfloat16)
        off = off_ref[:, :]
        ohi = jnp.floor(off * (1.0 / 128.0))
        olo = off - ohi * 128.0
        ones_bf = jnp.ones((1, K), jnp.bfloat16)
        offb = (128.0 * jnp.dot(ones_bf, oh_bf * ohi.astype(jnp.bfloat16),
                                preferred_element_type=jnp.float32)
                + jnp.dot(ones_bf, oh_bf * olo.astype(jnp.bfloat16),
                          preferred_element_type=jnp.float32))
        pos = poslb + offb.astype(jnp.int32)
        pos_ref[:, :, :] = pos.reshape(1, 1, BLK)
        xb = x_ref[:, :]
        xp_ref[:, :] = jnp.concatenate([xb, jnp.zeros_like(xb)], axis=1)


def _run_stage_a(x, centers, lt):
    nblk = N // BLK
    return pl.pallas_call(
        functools.partial(_stage_a, nblk=nblk),
        grid=(2, nblk),
        in_specs=[
            pl.BlockSpec((BLK, D), lambda p, i: (i, 0)),
            pl.BlockSpec((K, D), lambda p, i: (0, 0)),
            pl.BlockSpec((BLK, BLK), lambda p, i: (0, 0)),
        ],
        out_specs=[
            pl.BlockSpec((1, 1, BLK),
                         lambda p, i: (jnp.where(p == 0, 0, i), 0, 0)),
            pl.BlockSpec((K, 1), lambda p, i: (0, 0)),
            pl.BlockSpec((K, D), lambda p, i: (0, 0)),
            pl.BlockSpec((K, 1), lambda p, i: (0, 0)),
            pl.BlockSpec((BLK, 2 * D),
                         lambda p, i: (jnp.where(p == 1, i, 0), 0)),
        ],
        out_shape=[
            jax.ShapeDtypeStruct((nblk, 1, BLK), jnp.int32),
            jax.ShapeDtypeStruct((K, 1), jnp.float32),
            jax.ShapeDtypeStruct((K, D), jnp.float32),
            jax.ShapeDtypeStruct((K, 1), jnp.float32),
            jax.ShapeDtypeStruct((N, 2 * D), jnp.float32),
        ],
        scratch_shapes=[
            pltpu.VMEM((nblk, BLK), jnp.int32),
            pltpu.VMEM((nblk, BLK), jnp.int32),
        ],
        compiler_params=pltpu.CompilerParams(
            dimension_semantics=("arbitrary", "arbitrary"),
        ),
    )(x, centers, lt)


def _scatter_body(x_hbm, pos_hbm, out_hbm, idx_v, rows_v, sem):
    wid = lax.axis_index("s") * 2 + lax.axis_index("c")
    base = wid * PW
    pltpu.sync_copy(pos_hbm.at[pl.ds(base, PW)], idx_v)
    pltpu.sync_copy(x_hbm.at[pl.ds(base, PW)], rows_v)
    pltpu.async_copy(rows_v, out_hbm.at[idx_v], sem).wait()


def _scatter_rows(xp, pos_i):
    mesh = plsc.VectorSubcoreMesh(core_axis_name="c", subcore_axis_name="s")
    fn = pl.kernel(
        _scatter_body,
        out_type=jax.ShapeDtypeStruct((N, 2 * D), jnp.float32),
        mesh=mesh,
        scratch_types=[
            pltpu.VMEM((PW,), jnp.int32),
            pltpu.VMEM((PW, 2 * D), jnp.float32),
            pltpu.SemaphoreType.DMA,
        ],
    )
    return fn(xp, pos_i)


def _gram_body(xs_ref, p_ref, acc):
    b = pl.program_id(0)

    @pl.when(b == 0)
    def _init():
        acc[:, :] = jnp.zeros_like(acc)

    p_ref[:, :] = acc[:, :]
    xsb = xs_ref[:, :D].astype(jnp.bfloat16)
    acc[:, :] += lax.dot_general(xsb, xsb, (((0,), (0,)), ((), ())),
                                 preferred_element_type=jnp.float32)


def _run_gram(xs):
    return pl.pallas_call(
        _gram_body,
        grid=(NGB,),
        in_specs=[pl.BlockSpec((GB, 2 * D), lambda b: (b, 0))],
        out_specs=pl.BlockSpec((D, D), lambda b: (b, 0)),
        out_shape=jax.ShapeDtypeStruct((NGB * D, D), jnp.float32),
        scratch_shapes=[pltpu.VMEM((D, D), jnp.float32)],
        compiler_params=pltpu.CompilerParams(
            dimension_semantics=("arbitrary",),
        ),
    )(xs)


def _stage_d(bep_ref, mlim_ref, xs_ref, p_ref,
             counts_ref, sums_ref, ft_ref, mt_ref, ct_ref, out_ref,
             sedge, prevt):
    k = pl.program_id(0)

    @pl.when(k == 0)
    def _init():
        prevt[:, :] = jnp.zeros_like(prevt)

    xsb = xs_ref[:, :D]
    mlim = mlim_ref[k]
    msk = (lax.broadcasted_iota(jnp.int32, (GB, 1), 0) < mlim
           ).astype(jnp.float32)
    xs_bf = xsb.astype(jnp.bfloat16)
    xm_bf = (xsb * msk).astype(jnp.bfloat16)
    pe = lax.dot_general(xm_bf, xs_bf, (((0,), (0,)), ((), ())),
                         preferred_element_type=jnp.float32)
    tk = p_ref[:, :] + pe
    sedge[pl.ds(k * D, D), :] = tk - prevt[:, :]
    prevt[:, :] = tk

    @pl.when(k == K - 1)
    def _epilogue():
        s_flat = sedge[:, :]
        counts = counts_ref[:, :]
        safe = jnp.maximum(counts, 1.0)
        means = sums_ref[:, :] / safe

        filling = counts / jnp.float32(N)
        loss_fil = jnp.sum((filling - ft_ref[:, :]) ** 2,
                           axis=(0, 1), keepdims=True) / jnp.float32(K)
        loss_means = jnp.sum((means - mt_ref[:, :]) ** 2,
                             axis=(0, 1), keepdims=True) / jnp.float32(K * D)

        m3 = jnp.reshape(jnp.broadcast_to(means[:, None, :], (K, D, D)),
                         (K * D, D))
        rio = lax.broadcasted_iota(jnp.int32, (K * D, D), 0)
        jio = lax.broadcasted_iota(jnp.int32, (K * D, D), 1)
        isel = (rio % D == jio).astype(jnp.float32)
        m4 = jnp.sum(m3 * isel, axis=1, keepdims=True)

        countsb = jnp.reshape(jnp.broadcast_to(counts[:, :, None], (K, D, 1)),
                              (K * D, 1))
        denomb = jnp.maximum(countsb - 1.0, 1.0)
        covs = (s_flat - countsb * (m4 * m3)) / denomb
        loss_covs = jnp.sum((covs - ct_ref[:, :]) ** 2,
                            axis=(0, 1), keepdims=True) / jnp.float32(K * D * D)

        out_ref[:, :] = loss_fil + loss_means + loss_covs


def _run_stage_d(bep, mlim, xs, pgram, counts, sums, ft, mt, ct):
    grid_spec = pltpu.PrefetchScalarGridSpec(
        num_scalar_prefetch=2,
        grid=(K,),
        in_specs=[
            pl.BlockSpec((GB, 2 * D), lambda k, bep, mlim: (bep[k], 0)),
            pl.BlockSpec((D, D), lambda k, bep, mlim: (bep[k], 0)),
            pl.BlockSpec((K, 1), lambda k, bep, mlim: (0, 0)),
            pl.BlockSpec((K, D), lambda k, bep, mlim: (0, 0)),
            pl.BlockSpec((K, 1), lambda k, bep, mlim: (0, 0)),
            pl.BlockSpec((K, D), lambda k, bep, mlim: (0, 0)),
            pl.BlockSpec((K * D, D), lambda k, bep, mlim: (0, 0)),
        ],
        out_specs=pl.BlockSpec((1, 1), lambda k, bep, mlim: (0, 0)),
        scratch_shapes=[
            pltpu.VMEM((K * D, D), jnp.float32),
            pltpu.VMEM((D, D), jnp.float32),
        ],
    )
    return pl.pallas_call(
        _stage_d,
        grid_spec=grid_spec,
        out_shape=jax.ShapeDtypeStruct((1, 1), jnp.float32),
        compiler_params=pltpu.CompilerParams(
            dimension_semantics=("arbitrary",),
        ),
    )(bep, mlim, xs, pgram, counts, sums, ft, mt, ct)


def kernel(x, cluster_centers, filling_target, means_target, covs_target):
    jio = lax.broadcasted_iota(jnp.int32, (BLK, BLK), 1)
    iio = lax.broadcasted_iota(jnp.int32, (BLK, BLK), 0)
    lt = (iio < jio).astype(jnp.bfloat16)

    pos3, counts, sums, off, xp = _run_stage_a(x, cluster_centers, lt)

    pos_i = pos3.reshape(N)
    off_i = off.astype(jnp.int32).reshape(K)
    xs = _scatter_rows(xp, pos_i)

    pgram = _run_gram(xs)

    e_i = off_i + counts.astype(jnp.int32).reshape(K)
    bep = jnp.clip(e_i // GB, 0, NGB - 1).astype(jnp.int32)
    mlim = (e_i - bep * GB).astype(jnp.int32)

    ft = filling_target.reshape(K, 1)
    ct = covs_target.reshape(K * D, D)
    out = _run_stage_d(bep, mlim, xs, pgram, counts, sums,
                       ft, means_target, ct)
    return out[0, 0]

# --- scband reference (transcript-rebuilt; emitter-appended) ---
"""Pipeline reference for scband-loss-mean-cov-7627861918342 (READ-ONLY COPY).

The authoritative reference and input builder live on the scoring server;
editing this copy changes nothing except your own understanding.
"""

import jax, jax.numpy as jnp
import numpy as np

N, K, D = 16384, 64, 64

def setup_inputs(seed: int = 0) -> dict:
    key = jax.random.key(seed)
    k1, k2, k3, k4, k5 = jax.random.split(key, 5)
    return {
        "x": jax.random.normal(k1, (N, D), dtype=jnp.float32),
        "cluster_centers": jax.random.normal(k2, (K, D), dtype=jnp.float32),
        "filling_target": jax.random.uniform(k3, (K,), dtype=jnp.float32),
        "means_target": jax.random.normal(k4, (K, D), dtype=jnp.float32),
        "covs_target": jax.random.normal(k5, (K, D, D), dtype=jnp.float32),
    }

def _mse(a, b):
    return jnp.mean((a - b) ** 2)

def _kmeans_predict(x, centers):
    # pairwise squared euclidean distances, argmin assignment
    d2 = (jnp.sum(x * x, axis=1, keepdims=True)
          - 2.0 * (x @ centers.T)
          + jnp.sum(centers * centers, axis=1)[None, :])
    return jnp.argmin(d2, axis=1)

def reference(x, cluster_centers, filling_target, means_target, covs_target):
    n = x.shape[0]
    k = cluster_centers.shape[0]
    # kmeans_predict
    pred = _kmeans_predict(x, cluster_centers)
    # compute_cluster_filling_mse: fraction of points per cluster vs target
    counts = jnp.bincount(pred, length=k).astype(x.dtype)
    filling = counts / jnp.asarray(n, dtype=x.dtype)
    loss_fil = _mse(filling, filling_target)
    # cluster_statistics: per-cluster mean and covariance via segment reductions
    sums = jax.ops.segment_sum(x, pred, num_segments=k)
    safe_counts = jnp.maximum(counts, 1.0)
    means = sums / safe_counts[:, None]
    onehot = jax.nn.one_hot(pred, k, dtype=x.dtype)
    # per-cluster sum of outer products: S_k = sum_{i in k} x_i x_i^T
    S = jnp.einsum('nk,ni,nj->kij', onehot, x, x)
    denom = jnp.maximum(counts - 1.0, 1.0)
    covs = (S - counts[:, None, None] * means[:, :, None] * means[:, None, :]) / denom[:, None, None]
    loss_stat = _mse(means, means_target) + _mse(covs, covs_target)
    return loss_fil + loss_stat

if __name__ == "__main__":
    import jax
    _d = setup_inputs()
    print(jax.jit(kernel)(*tuple(_d.values())))

</pallas_src>

<mosaic_0001>
#map = affine_map<(d0, d1) -> (0, 0)>
#map1 = affine_map<(d0, d1) -> (0)>
module attributes {stable_mosaic.version = 14 : i64} {
  func.func @_scatter_body(%arg0: i32, %arg1: i32, %arg2: memref<16384x128xf32, #tpu.memory_space<hbm>>, %arg3: memref<16384xi32, #tpu.memory_space<hbm>>, %arg4: memref<16384x128xf32, #tpu.memory_space<hbm>>, %arg5: memref<512xi32, #tpu.memory_space<vmem>>, %arg6: memref<512x128xf32, #tpu.memory_space<vmem>>, %arg7: memref<!tpu.dma_semaphore, #tpu.memory_space<semaphore_mem>>) attributes {dimension_semantics = [#tpu.dimension_semantics<core_parallel>, #tpu.dimension_semantics<subcore_parallel>], iteration_bounds = array<i64: 2, 16>, scalar_prefetch = 0 : i64, scratch_operands = 3 : i64, tpu.core_type = #tpu.core_type<sc_vector_subcore>, window_params = [{transform_indices = #map}, {transform_indices = #map1}, {transform_indices = #map}]} {
    %mul3A = arith.constant 2 : i32
    %mul3A_0 = arith.muli %arg1, %mul3A : i32
    %add3A = arith.addi %mul3A_0, %arg0 : i32
    %mul3A_1 = arith.constant 512 : i32
    %mul3A_2 = arith.muli %add3A, %mul3A_1 : i32
    "tpu.region"() ({
      %run_scoped3A = tpu.sem_alloc : memref<!tpu.dma_semaphore, #tpu.memory_space<semaphore_mem>>
      %dma_start3A_7 = tpu.memref_slice %arg3[%mul3A_2] : memref<16384xi32, #tpu.memory_space<hbm>> -> memref<512xi32, #tpu.memory_space<hbm>>
      %dma_start3A_8 = tpu.memref_slice %arg3[%mul3A_2] : memref<16384xi32, #tpu.memory_space<hbm>> -> memref<512xi32, #tpu.memory_space<hbm>>
      tpu.enqueue_dma source(%dma_start3A_8 : memref<512xi32, #tpu.memory_space<hbm>>) target(%arg5 : memref<512xi32, #tpu.memory_space<vmem>>) target_semaphore(%run_scoped3A : memref<!tpu.dma_semaphore, #tpu.memory_space<semaphore_mem>>)
      %dma_wait3A_9 = tpu.memref_slice %arg3[%mul3A_2] : memref<16384xi32, #tpu.memory_space<hbm>> -> memref<512xi32, #tpu.memory_space<hbm>>
      %dma_wait3A_10 = tpu.memref_slice %arg3[%mul3A_2] : memref<16384xi32, #tpu.memory_space<hbm>> -> memref<512xi32, #tpu.memory_space<hbm>>
      tpu.wait_dma2 semaphore(%run_scoped3A : memref<!tpu.dma_semaphore, #tpu.memory_space<semaphore_mem>>) src(%dma_wait3A_10 : memref<512xi32, #tpu.memory_space<hbm>>) dst(%arg5 : memref<512xi32, #tpu.memory_space<vmem>>)
      tpu.yield
    }) : () -> ()
    "tpu.region"() ({
      %run_scoped3A = tpu.sem_alloc : memref<!tpu.dma_semaphore, #tpu.memory_space<semaphore_mem>>
      %dma_start3A_7 = arith.constant 0 : i32
      %dma_start3A_8 = tpu.memref_slice %arg2[%mul3A_2, %dma_start3A_7] : memref<16384x128xf32, #tpu.memory_space<hbm>> -> memref<512x128xf32, #tpu.memory_space<hbm>>
      %dma_start3A_9 = arith.constant 0 : i32
      %dma_start3A_10 = tpu.memref_slice %arg2[%mul3A_2, %dma_start3A_9] : memref<16384x128xf32, #tpu.memory_space<hbm>> -> memref<512x128xf32, #tpu.memory_space<hbm>>
      tpu.enqueue_dma source(%dma_start3A_10 : memref<512x128xf32, #tpu.memory_space<hbm>>) target(%arg6 : memref<512x128xf32, #tpu.memory_space<vmem>>) target_semaphore(%run_scoped3A : memref<!tpu.dma_semaphore, #tpu.memory_space<semaphore_mem>>)
      %dma_wait3A_11 = arith.constant 0 : i32
      %dma_wait3A_12 = tpu.memref_slice %arg2[%mul3A_2, %dma_wait3A_11] : memref<16384x128xf32, #tpu.memory_space<hbm>> -> memref<512x128xf32, #tpu.memory_space<hbm>>
      %dma_wait3A_13 = arith.constant 0 : i32
      %dma_wait3A_14 = tpu.memref_slice %arg2[%mul3A_2, %dma_wait3A_13] : memref<16384x128xf32, #tpu.memory_space<hbm>> -> memref<512x128xf32, #tpu.memory_space<hbm>>
      tpu.wait_dma2 semaphore(%run_scoped3A : memref<!tpu.dma_semaphore, #tpu.memory_space<semaphore_mem>>) src(%dma_wait3A_14 : memref<512x128xf32, #tpu.memory_space<hbm>>) dst(%arg6 : memref<512x128xf32, #tpu.memory_space<vmem>>)
      tpu.yield
    }) : () -> ()
    %dma_start3A = arith.constant 0 : i32
    %dma_start3A_3 = arith.constant 0 : i32
    %dma_start3A_4 = tpu.memref_slice %arg4[%dma_start3A, %dma_start3A_3] : memref<16384x128xf32, #tpu.memory_space<hbm>> -> memref<16384x128xf32, #tpu.memory_space<hbm>>
    tpu.enqueue_indirect_dma source(%arg6 : memref<512x128xf32, #tpu.memory_space<vmem>>) target(%dma_start3A_4 : memref<16384x128xf32, #tpu.memory_space<hbm>>) offsets(%arg5 : memref<512xi32, #tpu.memory_space<vmem>>) semaphore(%arg7 : memref<!tpu.dma_semaphore, #tpu.memory_space<semaphore_mem>>)
    %dma_wait3A = arith.constant 0 : i32
    %dma_wait3A_5 = arith.constant 0 : i32
    %dma_wait3A_6 = tpu.memref_slice %arg4[%dma_wait3A, %dma_wait3A_5] : memref<16384x128xf32, #tpu.memory_space<hbm>> -> memref<16384x128xf32, #tpu.memory_space<hbm>>
    tpu.wait_indirect_dma semaphore(%arg7 : memref<!tpu.dma_semaphore, #tpu.memory_space<semaphore_mem>>) src(%arg6 : memref<512x128xf32, #tpu.memory_space<vmem>>) dst(%dma_wait3A_6 : memref<16384x128xf32, #tpu.memory_space<hbm>>)
    return
  }
}

module attributes {stable_mosaic.version = 14 : i64} {
  func.func @_gram_body(%arg0: i32, %arg1: memref<512x128xf32, #tpu.memory_space<vmem>>, %arg2: memref<64x64xf32, #tpu.memory_space<vmem>>, %arg3: memref<64x64xf32, #tpu.memory_space<vmem>>) attributes {dimension_semantics = [#tpu.dimension_semantics<arbitrary>], iteration_bounds = array<i64: 32>, scalar_prefetch = 0 : i64, scratch_operands = 1 : i64, tpu.core_type = #tpu.core_type<tc>, window_params = [{transform_indices = @transform_0, window_bounds = array<i64: 512, 128>}, {transform_indices = @transform_1, window_bounds = array<i64: 64, 64>}]} {
    %eq3A = arith.constant 0 : i32
    %eq3A_0 = arith.cmpi eq, %arg0, %eq3A : i32
    %convert_element_type3A = arith.extui %eq3A_0 : i1 to i32
    %cond3A = arith.constant 0 : i32
    %cond3A_1 = arith.cmpi ne, %convert_element_type3A, %cond3A : i32
    scf.if %cond3A_1 {
      %broadcast_in_dim3A = arith.constant 0.000000e+00 : f32
      %broadcast_in_dim3A_17 = vector.broadcast %broadcast_in_dim3A : f32 to vector<64x64xf32>
      %swap3A_18 = arith.constant 0 : index
      %swap3A_19 = arith.constant 0 : index
      %swap3A_20 = vector.load %arg3[%swap3A_18, %swap3A_19] : memref<64x64xf32, #tpu.memory_space<vmem>>, vector<64x64xf32>
      tpu.vector_store %arg3[%swap3A_18, %swap3A_19], %broadcast_in_dim3A_17 {strides = array<i32>} : memref<64x64xf32, #tpu.memory_space<vmem>>, vector<64x64xf32>,
    } else {
    }
    %get3A = arith.constant 0 : index
    %get3A_2 = arith.constant 0 : index
    %get3A_3 = vector.load %arg3[%get3A, %get3A_2] : memref<64x64xf32, #tpu.memory_space<vmem>>, vector<64x64xf32>
    %swap3A = arith.constant 0 : index
    %swap3A_4 = arith.constant 0 : index
    %swap3A_5 = vector.load %arg2[%swap3A, %swap3A_4] : memref<64x64xf32, #tpu.memory_space<vmem>>, vector<64x64xf32>
    tpu.vector_store %arg2[%swap3A, %swap3A_4], %get3A_3 {strides = array<i32>} : memref<64x64xf32, #tpu.memory_space<vmem>>, vector<64x64xf32>,
    %get3A_6 = arith.constant 0 : index
    %get3A_7 = arith.constant 0 : index
    %get3A_8 = vector.load %arg1[%get3A_6, %get3A_7] : memref<512x128xf32, #tpu.memory_space<vmem>>, vector<512x64xf32>
    %convert_element_type3A_9 = arith.truncf %get3A_8 : vector<512x64xf32> to vector<512x64xbf16>
    %get3A_10 = arith.constant 0 : index
    %get3A_11 = arith.constant 0 : index
    %get3A_12 = vector.load %arg3[%get3A_10, %get3A_11] : memref<64x64xf32, #tpu.memory_space<vmem>>, vector<64x64xf32>
    %dot_general3A = arith.constant dense<0.000000e+00> : vector<64x64xf32>
    %dot_general3A_13 = tpu.matmul %convert_element_type3A_9, %convert_element_type3A_9, %dot_general3A {dimension_numbers = #tpu.dot_dimension_numbers<[0], [0], [1], [1], [0, 1, 1, 1], [], []>, transpose_lhs_hint = false} : vector<512x64xbf16>, vector<512x64xbf16>, vector<64x64xf32> -> vector<64x64xf32>
    %add3A = arith.addf %get3A_12, %dot_general3A_13 : vector<64x64xf32>
    %swap3A_14 = arith.constant 0 : index
    %swap3A_15 = arith.constant 0 : index
    %swap3A_16 = vector.load %arg3[%swap3A_14, %swap3A_15] : memref<64x64xf32, #tpu.memory_space<vmem>>, vector<64x64xf32>
    tpu.vector_store %arg3[%swap3A_14, %swap3A_15], %add3A {strides = array<i32>} : memref<64x64xf32, #tpu.memory_space<vmem>>, vector<64x64xf32>,
    return
  }
  func.func @transform_0(%arg0: i32) -> (i32, i32) {
    %c0_i32 = arith.constant 0 : i32
    %c0_i32_0 = arith.constant 0 : i32
    return %arg0, %c0_i32 : i32, i32
  }
  func.func @transform_1(%arg0: i32) -> (i32, i32) {
    %c0_i32 = arith.constant 0 : i32
    %c0_i32_0 = arith.constant 0 : i32
    return %arg0, %c0_i32 : i32, i32
  }
}

module attributes {stable_mosaic.version = 14 : i64} {
  func.func @_stage_a(%arg0: i32, %arg1: i32, %arg2: memref<512x64xf32, #tpu.memory_space<vmem>>, %arg3: memref<64x64xf32, #tpu.memory_space<vmem>>, %arg4: memref<512x512xbf16, #tpu.memory_space<vmem>>, %arg5: memref<1x1x512xi32, #tpu.memory_space<vmem>>, %arg6: memref<64x1xf32, #tpu.memory_space<vmem>>, %arg7: memref<64x64xf32, #tpu.memory_space<vmem>>, %arg8: memref<64x1xf32, #tpu.memory_space<vmem>>, %arg9: memref<512x128xf32, #tpu.memory_space<vmem>>, %arg10: memref<32x512xi32, #tpu.memory_space<vmem>>, %arg11: memref<32x512xi32, #tpu.memory_space<vmem>>) attributes {dimension_semantics = [#tpu.dimension_semantics<arbitrary>, #tpu.dimension_semantics<arbitrary>], iteration_bounds = array<i64: 2, 32>, scalar_prefetch = 0 : i64, scratch_operands = 2 : i64, tpu.core_type = #tpu.core_type<tc>, window_params = [{transform_indices = @transform_0, window_bounds = array<i64: 512, 64>}, {pipeline_mode = #tpu.pipeline_mode<synchronous>, transform_indices = @transform_1, window_bounds = array<i64: 64, 64>}, {pipeline_mode = #tpu.pipeline_mode<synchronous>, transform_indices = @transform_2, window_bounds = array<i64: 512, 512>}, {transform_indices = @transform_3, window_bounds = array<i64: 1, 1, 512>}, {pipeline_mode = #tpu.pipeline_mode<synchronous>, transform_indices = @transform_4, window_bounds = array<i64: 64, 1>}, {pipeline_mode = #tpu.pipeline_mode<synchronous>, transform_indices = @transform_5, window_bounds = array<i64: 64, 64>}, {pipeline_mode = #tpu.pipeline_mode<synchronous>, transform_indices = @transform_6, window_bounds = array<i64: 64, 1>}, {transform_indices = @transform_7, window_bounds = array<i64: 512, 128>}]} {
    %eq3A = arith.constant 0 : i32
    %eq3A_0 = arith.cmpi eq, %arg0, %eq3A : i32
    %eq3A_1 = arith.constant 0 : i32
    %eq3A_2 = arith.cmpi eq, %arg1, %eq3A_1 : i32
    %and3A = arith.andi %eq3A_0, %eq3A_2 : i1
    %convert_element_type3A = arith.extui %and3A : i1 to i32
    %cond3A = arith.constant 0 : i32
    %cond3A_3 = arith.cmpi ne, %convert_element_type3A, %cond3A : i32
    scf.if %cond3A_3 {
      %broadcast_in_dim3A = arith.constant 0.000000e+00 : f32
      %broadcast_in_dim3A_14 = vector.broadcast %broadcast_in_dim3A : f32 to vector<64x1xf32>
      %swap3A = arith.constant 0 : index
      %swap3A_15 = arith.constant 0 : index
      %swap3A_16 = vector.load %arg6[%swap3A, %swap3A_15] : memref<64x1xf32, #tpu.memory_space<vmem>>, vector<64x1xf32>
      tpu.vector_store %arg6[%swap3A, %swap3A_15], %broadcast_in_dim3A_14 {strides = array<i32>} : memref<64x1xf32, #tpu.memory_space<vmem>>, vector<64x1xf32>,
      %broadcast_in_dim3A_17 = arith.constant 0.000000e+00 : f32
      %broadcast_in_dim3A_18 = vector.broadcast %broadcast_in_dim3A_17 : f32 to vector<64x64xf32>
      %swap3A_19 = arith.constant 0 : index
      %swap3A_20 = arith.constant 0 : index
      %swap3A_21 = vector.load %arg7[%swap3A_19, %swap3A_20] : memref<64x64xf32, #tpu.memory_space<vmem>>, vector<64x64xf32>
      tpu.vector_store %arg7[%swap3A_19, %swap3A_20], %broadcast_in_dim3A_18 {strides = array<i32>} : memref<64x64xf32, #tpu.memory_space<vmem>>, vector<64x64xf32>,
    } else {
    }
    %iota3A = tpu.iota {dimensions = array<i32: 0>} : vector<64x512xi32>
    %eq3A_4 = arith.constant 0 : i32
    %eq3A_5 = arith.cmpi eq, %arg0, %eq3A_4 : i32
    %convert_element_type3A_6 = arith.extui %eq3A_5 : i1 to i32
    %cond3A_7 = arith.constant 0 : i32
    %cond3A_8 = arith.cmpi ne, %convert_element_type3A_6, %cond3A_7 : i32
    scf.if %cond3A_8 {
      %get3A = arith.constant 0 : index
      %get3A_14 = arith.constant 0 : index
      %get3A_15 = vector.load %arg2[%get3A, %get3A_14] : memref<512x64xf32, #tpu.memory_space<vmem>>, vector<512x64xf32>
      %get3A_16 = arith.constant 0 : index
      %get3A_17 = arith.constant 0 : index
      %get3A_18 = vector.load %arg3[%get3A_16, %get3A_17] : memref<64x64xf32, #tpu.memory_space<vmem>>, vector<64x64xf32>
      %mul3A = arith.mulf %get3A_18, %get3A_18 : vector<64x64xf32>
      %reduce_sum3A = arith.constant dense<0.000000e+00> : vector<64xf32>
      %reduce_sum3A_19 = vector.multi_reduction <add>, %mul3A, %reduce_sum3A [1] : vector<64x64xf32> to vector<64xf32>
      %broadcast_in_dim3A = vector.shape_cast %reduce_sum3A_19 : vector<64xf32> to vector<64x1xf32>
      %dot_general3A = arith.constant dense<0.000000e+00> : vector<64x512xf32>
      %dot_general3A_20 = tpu.matmul %get3A_18, %get3A_15, %dot_general3A {dimension_numbers = #tpu.dot_dimension_numbers<[1], [1], [0], [0], [0, 0, 1, 0], [], []>, transpose_lhs_hint = false} : vector<64x64xf32>, vector<512x64xf32>, vector<64x512xf32> -> vector<64x512xf32>
      %mul3A_21 = arith.constant 2.000000e+00 : f32
      %mul3A_22 = vector.broadcast %mul3A_21 : f32 to vector<64x512xf32>
      %mul3A_23 = arith.mulf %mul3A_22, %dot_general3A_20 : vector<64x512xf32>
      %sub3A = vector.broadcast %broadcast_in_dim3A : vector<64x1xf32> to vector<64x512xf32>
      %sub3A_24 = arith.subf %sub3A, %mul3A_23 : vector<64x512xf32>
      %reduce_min3A = arith.constant dense<0x7F800000> : vector<512xf32>
      %reduce_min3A_25 = vector.multi_reduction <minimumf>, %sub3A_24, %reduce_min3A [0] : vector<64x512xf32> to vector<512xf32>
      %broadcast_in_dim3A_26 = vector.shape_cast %reduce_min3A_25 : vector<512xf32> to vector<1x512xf32>
      %le3A = vector.broadcast %broadcast_in_dim3A_26 : vector<1x512xf32> to vector<64x512xf32>
      %le3A_27 = arith.cmpf ole, %sub3A_24, %le3A : vector<64x512xf32>
      %jit3A = arith.constant 64 : i32
      %broadcast_in_dim3A_28 = vector.broadcast %jit3A : i32 to vector<64x512xi32>
      %select_n3A = arith.select %le3A_27, %iota3A, %broadcast_in_dim3A_28 : vector<64x512xi1>, vector<64x512xi32>
      %reduce_min3A_29 = arith.constant dense<2147483647> : vector<512xi32>
      %reduce_min3A_30 = vector.multi_reduction <minsi>, %select_n3A, %reduce_min3A_29 [0] : vector<64x512xi32> to vector<512xi32>
      %broadcast_in_dim3A_31 = vector.shape_cast %reduce_min3A_30 : vector<512xi32> to vector<1x512xi32>
      %eq3A_32 = vector.broadcast %broadcast_in_dim3A_31 : vector<1x512xi32> to vector<64x512xi32>
      %eq3A_33 = arith.cmpi eq, %iota3A, %eq3A_32 : vector<64x512xi32>
      %convert_element_type3A_34 = arith.extui %eq3A_33 : vector<64x512xi1> to vector<64x512xi32>
      %convert_element_type3A_35 = arith.sitofp %convert_element_type3A_34 : vector<64x512xi32> to vector<64x512xf32>
      %convert_element_type3A_36 = arith.truncf %convert_element_type3A_35 : vector<64x512xf32> to vector<64x512xbf16>
      %get3A_37 = arith.constant 0 : index
      %get3A_38 = arith.constant 0 : index
      %get3A_39 = vector.load %arg4[%get3A_37, %get3A_38] : memref<512x512xbf16, #tpu.memory_space<vmem>>, vector<512x512xbf16>
      %dot_general3A_40 = arith.constant dense<0.000000e+00> : vector<64x512xf32>
      %dot_general3A_41 = tpu.matmul %convert_element_type3A_36, %get3A_39, %dot_general3A_40 {dimension_numbers = #tpu.dot_dimension_numbers<[1], [0], [0], [1], [0, 0, 1, 1], [], []>, transpose_lhs_hint = false} : vector<64x512xbf16>, vector<512x512xbf16>, vector<64x512xf32> -> vector<64x512xf32>
      %get3A_42 = arith.constant 0 : index
      %get3A_43 = arith.constant 0 : index
      %get3A_44 = vector.load %arg6[%get3A_42, %get3A_43] : memref<64x1xf32, #tpu.memory_space<vmem>>, vector<64x1xf32>
      %mul3A_45 = arith.constant 7.812500e-03 : f32
      %mul3A_46 = vector.broadcast %mul3A_45 : f32 to vector<64x1xf32>
      %mul3A_47 = arith.mulf %get3A_44, %mul3A_46 : vector<64x1xf32>
      %floor3A = math.floor %mul3A_47 : vector<64x1xf32>
      %mul3A_48 = arith.constant 1.280000e+02 : f32
      %mul3A_49 = vector.broadcast %mul3A_48 : f32 to vector<64x1xf32>
      %mul3A_50 = arith.mulf %floor3A, %mul3A_49 : vector<64x1xf32>
      %sub3A_51 = arith.subf %get3A_44, %mul3A_50 : vector<64x1xf32>
      %mul3A_52 = arith.constant 7.812500e-03 : f32
      %mul3A_53 = vector.broadcast %mul3A_52 : f32 to vector<64x512xf32>
      %mul3A_54 = arith.mulf %dot_general3A_41, %mul3A_53 : vector<64x512xf32>
      %floor3A_55 = math.floor %mul3A_54 : vector<64x512xf32>
      %mul3A_56 = arith.constant 1.280000e+02 : f32
      %mul3A_57 = vector.broadcast %mul3A_56 : f32 to vector<64x512xf32>
      %mul3A_58 = arith.mulf %floor3A_55, %mul3A_57 : vector<64x512xf32>
      %sub3A_59 = arith.subf %dot_general3A_41, %mul3A_58 : vector<64x512xf32>
      %add3A = vector.broadcast %floor3A : vector<64x1xf32> to vector<64x512xf32>
      %add3A_60 = arith.addf %floor3A_55, %add3A : vector<64x512xf32>
      %convert_element_type3A_61 = arith.truncf %add3A_60 : vector<64x512xf32> to vector<64x512xbf16>
      %add3A_62 = vector.broadcast %sub3A_51 : vector<64x1xf32> to vector<64x512xf32>
      %add3A_63 = arith.addf %sub3A_59, %add3A_62 : vector<64x512xf32>
      %convert_element_type3A_64 = arith.truncf %add3A_63 : vector<64x512xf32> to vector<64x512xbf16>
      %broadcast_in_dim3A_65 = arith.constant 1.000000e+00 : bf16
      %broadcast_in_dim3A_66 = vector.broadcast %broadcast_in_dim3A_65 : bf16 to vector<1x64xbf16>
      %mul3A_67 = arith.mulf %convert_element_type3A_36, %convert_element_type3A_61 : vector<64x512xbf16>
      %dot_general3A_68 = arith.constant dense<0.000000e+00> : vector<1x512xf32>
      %dot_general3A_69 = tpu.matmul %broadcast_in_dim3A_66, %mul3A_67, %dot_general3A_68 {dimension_numbers = #tpu.dot_dimension_numbers<[1], [0], [0], [1], [0, 0, 1, 1], [], []>, transpose_lhs_hint = false} : vector<1x64xbf16>, vector<64x512xbf16>, vector<1x512xf32> -> vector<1x512xf32>
      %mul3A_70 = arith.constant 1.280000e+02 : f32
      %mul3A_71 = vector.broadcast %mul3A_70 : f32 to vector<1x512xf32>
      %mul3A_72 = arith.mulf %mul3A_71, %dot_general3A_69 : vector<1x512xf32>
      %mul3A_73 = arith.mulf %convert_element_type3A_36, %convert_element_type3A_64 : vector<64x512xbf16>
      %dot_general3A_74 = arith.constant dense<0.000000e+00> : vector<1x512xf32>
      %dot_general3A_75 = tpu.matmul %broadcast_in_dim3A_66, %mul3A_73, %dot_general3A_74 {dimension_numbers = #tpu.dot_dimension_numbers<[1], [0], [0], [1], [0, 0, 1, 1], [], []>, transpose_lhs_hint = false} : vector<1x64xbf16>, vector<64x512xbf16>, vector<1x512xf32> -> vector<1x512xf32>
      %add3A_76 = arith.addf %mul3A_72, %dot_general3A_75 : vector<1x512xf32>
      %swap3A = arith.index_cast %arg1 : i32 to index
      %swap3A_77 = arith.constant 0 : index
      %swap3A_78 = vector.load %arg10[%swap3A, %swap3A_77] : memref<32x512xi32, #tpu.memory_space<vmem>>, vector<1x512xi32>
      tpu.vector_store %arg10[%swap3A, %swap3A_77], %broadcast_in_dim3A_31 {strides = array<i32>} : memref<32x512xi32, #tpu.memory_space<vmem>>, vector<1x512xi32>,
      %convert_element_type3A_79 = arith.fptosi %add3A_76 : vector<1x512xf32> to vector<1x512xi32>
      %swap3A_80 = arith.index_cast %arg1 : i32 to index
      %swap3A_81 = arith.constant 0 : index
      %swap3A_82 = vector.load %arg11[%swap3A_80, %swap3A_81] : memref<32x512xi32, #tpu.memory_space<vmem>>, vector<1x512xi32>
      tpu.vector_store %arg11[%swap3A_80, %swap3A_81], %convert_element_type3A_79 {strides = array<i32>} : memref<32x512xi32, #tpu.memory_space<vmem>>, vector<1x512xi32>,
      %broadcast_in_dim3A_83 = arith.constant 1.000000e+00 : bf16
      %broadcast_in_dim3A_84 = vector.broadcast %broadcast_in_dim3A_83 : bf16 to vector<512x1xbf16>
      %dot_general3A_85 = arith.constant dense<0.000000e+00> : vector<64x1xf32>
      %dot_general3A_86 = tpu.matmul %convert_element_type3A_36, %broadcast_in_dim3A_84, %dot_general3A_85 {dimension_numbers = #tpu.dot_dimension_numbers<[1], [0], [0], [1], [0, 0, 1, 1], [], []>, transpose_lhs_hint = false} : vector<64x512xbf16>, vector<512x1xbf16>, vector<64x1xf32> -> vector<64x1xf32>
      %add3A_87 = arith.addf %get3A_44, %dot_general3A_86 : vector<64x1xf32>
      %swap3A_88 = arith.constant 0 : index
      %swap3A_89 = arith.constant 0 : index
      %swap3A_90 = vector.load %arg6[%swap3A_88, %swap3A_89] : memref<64x1xf32, #tpu.memory_space<vmem>>, vector<64x1xf32>
      tpu.vector_store %arg6[%swap3A_88, %swap3A_89], %add3A_87 {strides = array<i32>} : memref<64x1xf32, #tpu.memory_space<vmem>>, vector<64x1xf32>,
      %get3A_91 = arith.constant 0 : index
      %get3A_92 = arith.constant 0 : index
      %get3A_93 = vector.load %arg7[%get3A_91, %get3A_92] : memref<64x64xf32, #tpu.memory_space<vmem>>, vector<64x64xf32>
      %convert_element_type3A_94 = arith.truncf %get3A_15 : vector<512x64xf32> to vector<512x64xbf16>
      %dot_general3A_95 = arith.constant dense<0.000000e+00> : vector<64x64xf32>
      %dot_general3A_96 = tpu.matmul %convert_element_type3A_36, %convert_element_type3A_94, %dot_general3A_95 {dimension_numbers = #tpu.dot_dimension_numbers<[1], [0], [0], [1], [0, 0, 1, 1], [], []>, transpose_lhs_hint = false} : vector<64x512xbf16>, vector<512x64xbf16>, vector<64x64xf32> -> vector<64x64xf32>
      %add3A_97 = arith.addf %get3A_93, %dot_general3A_96 : vector<64x64xf32>
      %swap3A_98 = arith.constant 0 : index
      %swap3A_99 = arith.constant 0 : index
      %swap3A_100 = vector.load %arg7[%swap3A_98, %swap3A_99] : memref<64x64xf32, #tpu.memory_space<vmem>>, vector<64x64xf32>
      tpu.vector_store %arg7[%swap3A_98, %swap3A_99], %add3A_97 {strides = array<i32>} : memref<64x64xf32, #tpu.memory_space<vmem>>, vector<64x64xf32>,
      %eq3A_101 = arith.constant 31 : i32
      %eq3A_102 = arith.cmpi eq, %arg1, %eq3A_101 : i32
      %convert_element_type3A_103 = arith.extui %eq3A_102 : i1 to i32
      %cond3A_104 = arith.constant 0 : i32
      %cond3A_105 = arith.cmpi ne, %convert_element_type3A_103, %cond3A_104 : i32
      scf.if %cond3A_105 {
        %iota3A_106 = tpu.iota {dimensions = array<i32: 1>} : vector<64x64xi32>
        %iota3A_107 = tpu.iota {dimensions = array<i32: 0>} : vector<64x64xi32>
        %lt3A = arith.cmpi slt, %iota3A_106, %iota3A_107 : vector<64x64xi32>
        %convert_element_type3A_108 = arith.extui %lt3A : vector<64x64xi1> to vector<64x64xi32>
        %convert_element_type3A_109 = arith.sitofp %convert_element_type3A_108 : vector<64x64xi32> to vector<64x64xf32>
        %get3A_110 = arith.constant 0 : index
        %get3A_111 = arith.constant 0 : index
        %get3A_112 = vector.load %arg6[%get3A_110, %get3A_111] : memref<64x1xf32, #tpu.memory_space<vmem>>, vector<64x1xf32>
        %dot_general3A_113 = arith.constant dense<0.000000e+00> : vector<64x1xf32>
        %dot_general3A_114 = tpu.matmul %convert_element_type3A_109, %get3A_112, %dot_general3A_113 {dimension_numbers = #tpu.dot_dimension_numbers<[1], [0], [0], [1], [0, 0, 1, 1], [], []>, transpose_lhs_hint = false} : vector<64x64xf32>, vector<64x1xf32>, vector<64x1xf32> -> vector<64x1xf32>
        %swap3A_115 = arith.constant 0 : index
        %swap3A_116 = arith.constant 0 : index
        %swap3A_117 = vector.load %arg8[%swap3A_115, %swap3A_116] : memref<64x1xf32, #tpu.memory_space<vmem>>, vector<64x1xf32>
        tpu.vector_store %arg8[%swap3A_115, %swap3A_116], %dot_general3A_114 {strides = array<i32>} : memref<64x1xf32, #tpu.memory_space<vmem>>, vector<64x1xf32>,
      } else {
      }
    } else {
    }
    %eq3A_9 = arith.constant 1 : i32
    %eq3A_10 = arith.cmpi eq, %arg0, %eq3A_9 : i32
    %convert_element_type3A_11 = arith.extui %eq3A_10 : i1 to i32
    %cond3A_12 = arith.constant 0 : i32
    %cond3A_13 = arith.cmpi ne, %convert_element_type3A_11, %cond3A_12 : i32
    scf.if %cond3A_13 {
      %get3A = arith.index_cast %arg1 : i32 to index
      %get3A_14 = arith.constant 0 : index
      %get3A_15 = vector.load %arg10[%get3A, %get3A_14] : memref<32x512xi32, #tpu.memory_space<vmem>>, vector<1x512xi32>
      %get3A_16 = arith.index_cast %arg1 : i32 to index
      %get3A_17 = arith.constant 0 : index
      %get3A_18 = vector.load %arg11[%get3A_16, %get3A_17] : memref<32x512xi32, #tpu.memory_space<vmem>>, vector<1x512xi32>
      %eq3A_19 = vector.broadcast %get3A_15 : vector<1x512xi32> to vector<64x512xi32>
      %eq3A_20 = arith.cmpi eq, %iota3A, %eq3A_19 : vector<64x512xi32>
      %convert_element_type3A_21 = arith.extui %eq3A_20 : vector<64x512xi1> to vector<64x512xi32>
      %convert_element_type3A_22 = arith.sitofp %convert_element_type3A_21 : vector<64x512xi32> to vector<64x512xf32>
      %convert_element_type3A_23 = arith.truncf %convert_element_type3A_22 : vector<64x512xf32> to vector<64x512xbf16>
      %get3A_24 = arith.constant 0 : index
      %get3A_25 = arith.constant 0 : index
      %get3A_26 = vector.load %arg8[%get3A_24, %get3A_25] : memref<64x1xf32, #tpu.memory_space<vmem>>, vector<64x1xf32>
      %mul3A = arith.constant 7.812500e-03 : f32
      %mul3A_27 = vector.broadcast %mul3A : f32 to vector<64x1xf32>
      %mul3A_28 = arith.mulf %get3A_26, %mul3A_27 : vector<64x1xf32>
      %floor3A = math.floor %mul3A_28 : vector<64x1xf32>
      %mul3A_29 = arith.constant 1.280000e+02 : f32
      %mul3A_30 = vector.broadcast %mul3A_29 : f32 to vector<64x1xf32>
      %mul3A_31 = arith.mulf %floor3A, %mul3A_30 : vector<64x1xf32>
      %sub3A = arith.subf %get3A_26, %mul3A_31 : vector<64x1xf32>
      %broadcast_in_dim3A = arith.constant 1.000000e+00 : bf16
      %broadcast_in_dim3A_32 = vector.broadcast %broadcast_in_dim3A : bf16 to vector<1x64xbf16>
      %convert_element_type3A_33 = arith.truncf %floor3A : vector<64x1xf32> to vector<64x1xbf16>
      %mul3A_34 = vector.broadcast %convert_element_type3A_33 : vector<64x1xbf16> to vector<64x512xbf16>
      %mul3A_35 = arith.mulf %convert_element_type3A_23, %mul3A_34 : vector<64x512xbf16>
      %dot_general3A = arith.constant dense<0.000000e+00> : vector<1x512xf32>
      %dot_general3A_36 = tpu.matmul %broadcast_in_dim3A_32, %mul3A_35, %dot_general3A {dimension_numbers = #tpu.dot_dimension_numbers<[1], [0], [0], [1], [0, 0, 1, 1], [], []>, transpose_lhs_hint = false} : vector<1x64xbf16>, vector<64x512xbf16>, vector<1x512xf32> -> vector<1x512xf32>
      %mul3A_37 = arith.constant 1.280000e+02 : f32
      %mul3A_38 = vector.broadcast %mul3A_37 : f32 to vector<1x512xf32>
      %mul3A_39 = arith.mulf %mul3A_38, %dot_general3A_36 : vector<1x512xf32>
      %convert_element_type3A_40 = arith.truncf %sub3A : vector<64x1xf32> to vector<64x1xbf16>
      %mul3A_41 = vector.broadcast %convert_element_type3A_40 : vector<64x1xbf16> to vector<64x512xbf16>
      %mul3A_42 = arith.mulf %convert_element_type3A_23, %mul3A_41 : vector<64x512xbf16>
      %dot_general3A_43 = arith.constant dense<0.000000e+00> : vector<1x512xf32>
      %dot_general3A_44 = tpu.matmul %broadcast_in_dim3A_32, %mul3A_42, %dot_general3A_43 {dimension_numbers = #tpu.dot_dimension_numbers<[1], [0], [0], [1], [0, 0, 1, 1], [], []>, transpose_lhs_hint = false} : vector<1x64xbf16>, vector<64x512xbf16>, vector<1x512xf32> -> vector<1x512xf32>
      %add3A = arith.addf %mul3A_39, %dot_general3A_44 : vector<1x512xf32>
      %convert_element_type3A_45 = arith.fptosi %add3A : vector<1x512xf32> to vector<1x512xi32>
      %add3A_46 = arith.addi %get3A_18, %convert_element_type3A_45 : vector<1x512xi32>
      %reshape3A = vector.shape_cast %add3A_46 : vector<1x512xi32> to vector<1x1x512xi32>
      %swap3A = arith.constant 0 : index
      %swap3A_47 = arith.constant 0 : index
      %swap3A_48 = arith.constant 0 : index
      %swap3A_49 = vector.load %arg5[%swap3A, %swap3A_47, %swap3A_48] : memref<1x1x512xi32, #tpu.memory_space<vmem>>, vector<1x1x512xi32>
      tpu.vector_store %arg5[%swap3A, %swap3A_47, %swap3A_48], %reshape3A {strides = array<i32>} : memref<1x1x512xi32, #tpu.memory_space<vmem>>, vector<1x1x512xi32>,
      %get3A_50 = arith.constant 0 : index
      %get3A_51 = arith.constant 0 : index
      %get3A_52 = vector.load %arg2[%get3A_50, %get3A_51] : memref<512x64xf32, #tpu.memory_space<vmem>>, vector<512x64xf32>
      %broadcast_in_dim3A_53 = arith.constant 0.000000e+00 : f32
      %broadcast_in_dim3A_54 = vector.broadcast %broadcast_in_dim3A_53 : f32 to vector<512x64xf32>
      %concatenate3A = tpu.concatenate %get3A_52, %broadcast_in_dim3A_54 in 1 : vector<512x64xf32>, vector<512x64xf32> -> vector<512x128xf32>
      %swap3A_55 = arith.constant 0 : index
      %swap3A_56 = arith.constant 0 : index
      %swap3A_57 = vector.load %arg9[%swap3A_55, %swap3A_56] : memref<512x128xf32, #tpu.memory_space<vmem>>, vector<512x128xf32>
      tpu.vector_store %arg9[%swap3A_55, %swap3A_56], %concatenate3A {strides = array<i32>} : memref<512x128xf32, #tpu.memory_space<vmem>>, vector<512x128xf32>,
    } else {
    }
    return
  }
  func.func @transform_0(%arg0: i32, %arg1: i32) -> (i32, i32) {
    %c0_i32 = arith.constant 0 : i32
    %c0_i32_0 = arith.constant 0 : i32
    return %arg1, %c0_i32 : i32, i32
  }
  func.func @transform_1(%arg0: i32, %arg1: i32) -> (i32, i32) {
    %c0_i32 = arith.constant 0 : i32
    %c0_i32_0 = arith.constant 0 : i32
    %c0_i32_1 = arith.constant 0 : i32
    return %c0_i32, %c0_i32_0 : i32, i32
  }
  func.func @transform_2(%arg0: i32, %arg1: i32) -> (i32, i32) {
    %c0_i32 = arith.constant 0 : i32
    %c0_i32_0 = arith.constant 0 : i32
    %c0_i32_1 = arith.constant 0 : i32
    return %c0_i32, %c0_i32_0 : i32, i32
  }
  func.func @transform_3(%arg0: i32, %arg1: i32) -> (i32, i32, i32) {
    %eq3A = arith.constant 0 : i32
    %eq3A_0 = arith.cmpi eq, %arg0, %eq3A : i32
    %jit3A = arith.constant 0 : i32
    %select_n3A = arith.select %eq3A_0, %jit3A, %arg1 : i32
    %c0_i32 = arith.constant 0 : i32
    %c0_i32_1 = arith.constant 0 : i32
    %c0_i32_2 = arith.constant 0 : i32
    return %select_n3A, %c0_i32, %c0_i32_1 : i32, i32, i32
  }
  func.func @transform_4(%arg0: i32, %arg1: i32) -> (i32, i32) {
    %c0_i32 = arith.constant 0 : i32
    %c0_i32_0 = arith.constant 0 : i32
    %c0_i32_1 = arith.constant 0 : i32
    return %c0_i32, %c0_i32_0 : i32, i32
  }
  func.func @transform_5(%arg0: i32, %arg1: i32) -> (i32, i32) {
    %c0_i32 = arith.constant 0 : i32
    %c0_i32_0 = arith.constant 0 : i32
    %c0_i32_1 = arith.constant 0 : i32
    return %c0_i32, %c0_i32_0 : i32, i32
  }
  func.func @transform_6(%arg0: i32, %arg1: i32) -> (i32, i32) {
    %c0_i32 = arith.constant 0 : i32
    %c0_i32_0 = arith.constant 0 : i32
    %c0_i32_1 = arith.constant 0 : i32
    return %c0_i32, %c0_i32_0 : i32, i32
  }
  func.func @transform_7(%arg0: i32, %arg1: i32) -> (i32, i32) {
    %eq3A = arith.constant 1 : i32
    %eq3A_0 = arith.cmpi eq, %arg0, %eq3A : i32
    %jit3A = arith.constant 0 : i32
    %select_n3A = arith.select %eq3A_0, %arg1, %jit3A : i32
    %c0_i32 = arith.constant 0 : i32
    %c0_i32_1 = arith.constant 0 : i32
    return %select_n3A, %c0_i32 : i32, i32
  }
}

module attributes {stable_mosaic.version = 14 : i64} {
  func.func @_stage_d(%arg0: i32, %arg1: memref<64xi32, #tpu.memory_space<smem>>, %arg2: memref<64xi32, #tpu.memory_space<smem>>, %arg3: memref<512x128xf32, #tpu.memory_space<vmem>>, %arg4: memref<64x64xf32, #tpu.memory_space<vmem>>, %arg5: memref<64x1xf32, #tpu.memory_space<vmem>>, %arg6: memref<64x64xf32, #tpu.memory_space<vmem>>, %arg7: memref<64x1xf32, #tpu.memory_space<vmem>>, %arg8: memref<64x64xf32, #tpu.memory_space<vmem>>, %arg9: memref<4096x64xf32, #tpu.memory_space<vmem>>, %arg10: memref<1x1xf32, #tpu.memory_space<vmem>>, %arg11: memref<4096x64xf32, #tpu.memory_space<vmem>>, %arg12: memref<64x64xf32, #tpu.memory_space<vmem>>) attributes {dimension_semantics = [#tpu.dimension_semantics<arbitrary>], iteration_bounds = array<i64: 64>, scalar_prefetch = 2 : i64, scratch_operands = 2 : i64, tpu.core_type = #tpu.core_type<tc>, window_params = [{transform_indices = @transform_0, window_bounds = array<i64: 512, 128>}, {transform_indices = @transform_1, window_bounds = array<i64: 64, 64>}, {pipeline_mode = #tpu.pipeline_mode<synchronous>, transform_indices = @transform_2, window_bounds = array<i64: 64, 1>}, {pipeline_mode = #tpu.pipeline_mode<synchronous>, transform_indices = @transform_3, window_bounds = array<i64: 64, 64>}, {pipeline_mode = #tpu.pipeline_mode<synchronous>, transform_indices = @transform_4, window_bounds = array<i64: 64, 1>}, {pipeline_mode = #tpu.pipeline_mode<synchronous>, transform_indices = @transform_5, window_bounds = array<i64: 64, 64>}, {pipeline_mode = #tpu.pipeline_mode<synchronous>, transform_indices = @transform_6, window_bounds = array<i64: 4096, 64>}, {pipeline_mode = #tpu.pipeline_mode<synchronous>, transform_indices = @transform_7, window_bounds = array<i64: 1, 1>}]} {
    %eq3A = arith.constant 0 : i32
    %eq3A_0 = arith.cmpi eq, %arg0, %eq3A : i32
    %convert_element_type3A = arith.extui %eq3A_0 : i1 to i32
    %cond3A = arith.constant 0 : i32
    %cond3A_1 = arith.cmpi ne, %convert_element_type3A, %cond3A : i32
    scf.if %cond3A_1 {
      %broadcast_in_dim3A = arith.constant 0.000000e+00 : f32
      %broadcast_in_dim3A_31 = vector.broadcast %broadcast_in_dim3A : f32 to vector<64x64xf32>
      %swap3A_32 = arith.constant 0 : index
      %swap3A_33 = arith.constant 0 : index
      %swap3A_34 = vector.load %arg12[%swap3A_32, %swap3A_33] : memref<64x64xf32, #tpu.memory_space<vmem>>, vector<64x64xf32>
      tpu.vector_store %arg12[%swap3A_32, %swap3A_33], %broadcast_in_dim3A_31 {strides = array<i32>} : memref<64x64xf32, #tpu.memory_space<vmem>>, vector<64x64xf32>,
    } else {
    }
    %get3A = arith.constant 0 : index
    %get3A_2 = arith.constant 0 : index
    %get3A_3 = vector.load %arg3[%get3A, %get3A_2] : memref<512x128xf32, #tpu.memory_space<vmem>>, vector<512x64xf32>
    %get3A_4 = arith.index_cast %arg0 : i32 to index
    %get3A_5 = memref.load %arg2[%get3A_4] : memref<64xi32, #tpu.memory_space<smem>>
    %iota3A = tpu.iota {dimensions = array<i32: 0>} : vector<512x1xi32>
    %lt3A = vector.broadcast %get3A_5 : i32 to vector<512x1xi32>
    %lt3A_6 = arith.cmpi slt, %iota3A, %lt3A : vector<512x1xi32>
    %convert_element_type3A_7 = arith.extui %lt3A_6 : vector<512x1xi1> to vector<512x1xi32>
    %convert_element_type3A_8 = arith.sitofp %convert_element_type3A_7 : vector<512x1xi32> to vector<512x1xf32>
    %convert_element_type3A_9 = arith.truncf %get3A_3 : vector<512x64xf32> to vector<512x64xbf16>
    %mul3A = vector.broadcast %convert_element_type3A_8 : vector<512x1xf32> to vector<512x64xf32>
    %mul3A_10 = arith.mulf %get3A_3, %mul3A : vector<512x64xf32>
    %convert_element_type3A_11 = arith.truncf %mul3A_10 : vector<512x64xf32> to vector<512x64xbf16>
    %dot_general3A = arith.constant dense<0.000000e+00> : vector<64x64xf32>
    %dot_general3A_12 = tpu.matmul %convert_element_type3A_11, %convert_element_type3A_9, %dot_general3A {dimension_numbers = #tpu.dot_dimension_numbers<[0], [0], [1], [1], [0, 1, 1, 1], [], []>, transpose_lhs_hint = false} : vector<512x64xbf16>, vector<512x64xbf16>, vector<64x64xf32> -> vector<64x64xf32>
    %get3A_13 = arith.constant 0 : index
    %get3A_14 = arith.constant 0 : index
    %get3A_15 = vector.load %arg4[%get3A_13, %get3A_14] : memref<64x64xf32, #tpu.memory_space<vmem>>, vector<64x64xf32>
    %add3A = arith.addf %get3A_15, %dot_general3A_12 : vector<64x64xf32>
    %get3A_16 = arith.constant 0 : index
    %get3A_17 = arith.constant 0 : index
    %get3A_18 = vector.load %arg12[%get3A_16, %get3A_17] : memref<64x64xf32, #tpu.memory_space<vmem>>, vector<64x64xf32>
    %sub3A = arith.subf %add3A, %get3A_18 : vector<64x64xf32>
    %mul3A_19 = arith.constant 64 : i32
    %mul3A_20 = arith.muli %arg0, %mul3A_19 : i32
    %swap3A = arith.index_cast %mul3A_20 : i32 to index
    %swap3A_21 = arith.constant 0 : index
    %swap3A_22 = vector.load %arg11[%swap3A, %swap3A_21] : memref<4096x64xf32, #tpu.memory_space<vmem>>, vector<64x64xf32>
    tpu.vector_store %arg11[%swap3A, %swap3A_21], %sub3A {strides = array<i32>} : memref<4096x64xf32, #tpu.memory_space<vmem>>, vector<64x64xf32>,
    %swap3A_23 = arith.constant 0 : index
    %swap3A_24 = arith.constant 0 : index
    %swap3A_25 = vector.load %arg12[%swap3A_23, %swap3A_24] : memref<64x64xf32, #tpu.memory_space<vmem>>, vector<64x64xf32>
    tpu.vector_store %arg12[%swap3A_23, %swap3A_24], %add3A {strides = array<i32>} : memref<64x64xf32, #tpu.memory_space<vmem>>, vector<64x64xf32>,
    %eq3A_26 = arith.constant 63 : i32
    %eq3A_27 = arith.cmpi eq, %arg0, %eq3A_26 : i32
    %convert_element_type3A_28 = arith.extui %eq3A_27 : i1 to i32
    %cond3A_29 = arith.constant 0 : i32
    %cond3A_30 = arith.cmpi ne, %convert_element_type3A_28, %cond3A_29 : i32
    scf.if %cond3A_30 {
      %get3A_31 = arith.constant 0 : index
      %get3A_32 = arith.constant 0 : index
      %get3A_33 = vector.load %arg11[%get3A_31, %get3A_32] : memref<4096x64xf32, #tpu.memory_space<vmem>>, vector<4096x64xf32>
      %get3A_34 = arith.constant 0 : index
      %get3A_35 = arith.constant 0 : index
      %get3A_36 = vector.load %arg5[%get3A_34, %get3A_35] : memref<64x1xf32, #tpu.memory_space<vmem>>, vector<64x1xf32>
      %max3A = arith.constant 1.000000e+00 : f32
      %max3A_37 = vector.broadcast %max3A : f32 to vector<64x1xf32>
      %max3A_38 = arith.maximumf %get3A_36, %max3A_37 : vector<64x1xf32>
      %get3A_39 = arith.constant 0 : index
      %get3A_40 = arith.constant 0 : index
      %get3A_41 = vector.load %arg6[%get3A_39, %get3A_40] : memref<64x64xf32, #tpu.memory_space<vmem>>, vector<64x64xf32>
      %div3A = vector.broadcast %max3A_38 : vector<64x1xf32> to vector<64x64xf32>
      %div3A_42 = arith.divf %get3A_41, %div3A : vector<64x64xf32>
      %div3A_43 = arith.constant 1.638400e+04 : f32
      %div3A_44 = vector.broadcast %div3A_43 : f32 to vector<64x1xf32>
      %div3A_45 = arith.divf %get3A_36, %div3A_44 : vector<64x1xf32>
      %get3A_46 = arith.constant 0 : index
      %get3A_47 = arith.constant 0 : index
      %get3A_48 = vector.load %arg7[%get3A_46, %get3A_47] : memref<64x1xf32, #tpu.memory_space<vmem>>, vector<64x1xf32>
      %sub3A_49 = arith.subf %div3A_45, %get3A_48 : vector<64x1xf32>
      %integer_pow3A = arith.mulf %sub3A_49, %sub3A_49 : vector<64x1xf32>
      %reduce_sum3A = vector.shape_cast %integer_pow3A : vector<64x1xf32> to vector<1x64x1xf32>
      %reduce_sum3A_50 = arith.constant dense<0.000000e+00> : vector<1xf32>
      %reduce_sum3A_51 = vector.multi_reduction <add>, %reduce_sum3A, %reduce_sum3A_50 [1, 2] : vector<1x64x1xf32> to vector<1xf32>
      %reduce_sum3A_52 = vector.shape_cast %reduce_sum3A_51 : vector<1xf32> to vector<1x1x1xf32>
      %reduce_sum3A_53 = vector.extract %reduce_sum3A_52[0, 0, 0] : f32 from vector<1x1x1xf32>
      %broadcast_in_dim3A = vector.broadcast %reduce_sum3A_53 : f32 to vector<1x1xf32>
      %div3A_54 = arith.constant 6.400000e+01 : f32
      %div3A_55 = vector.broadcast %div3A_54 : f32 to vector<1x1xf32>
      %div3A_56 = arith.divf %broadcast_in_dim3A, %div3A_55 : vector<1x1xf32>
      %get3A_57 = arith.constant 0 : index
      %get3A_58 = arith.constant 0 : index
      %get3A_59 = vector.load %arg8[%get3A_57, %get3A_58] : memref<64x64xf32, #tpu.memory_space<vmem>>, vector<64x64xf32>
      %sub3A_60 = arith.subf %div3A_42, %get3A_59 : vector<64x64xf32>
      %integer_pow3A_61 = arith.mulf %sub3A_60, %sub3A_60 : vector<64x64xf32>
      %reduce_sum3A_62 = vector.shape_cast %integer_pow3A_61 : vector<64x64xf32> to vector<1x64x64xf32>
      %reduce_sum3A_63 = arith.constant dense<0.000000e+00> : vector<1xf32>
      %reduce_sum3A_64 = vector.multi_reduction <add>, %reduce_sum3A_62, %reduce_sum3A_63 [1, 2] : vector<1x64x64xf32> to vector<1xf32>
      %reduce_sum3A_65 = vector.shape_cast %reduce_sum3A_64 : vector<1xf32> to vector<1x1x1xf32>
      %reduce_sum3A_66 = vector.extract %reduce_sum3A_65[0, 0, 0] : f32 from vector<1x1x1xf32>
      %broadcast_in_dim3A_67 = vector.broadcast %reduce_sum3A_66 : f32 to vector<1x1xf32>
      %div3A_68 = arith.constant 4.096000e+03 : f32
      %div3A_69 = vector.broadcast %div3A_68 : f32 to vector<1x1xf32>
      %div3A_70 = arith.divf %broadcast_in_dim3A_67, %div3A_69 : vector<1x1xf32>
      %broadcast_in_dim3A_71 = vector.shape_cast %div3A_42 : vector<64x64xf32> to vector<64x1x64xf32>
      %broadcast_in_dim3A_72 = vector.shape_cast %broadcast_in_dim3A_71 : vector<64x1x64xf32> to vector<64x1x64xf32>
      %broadcast_in_dim3A_73 = vector.broadcast %broadcast_in_dim3A_72 : vector<64x1x64xf32> to vector<64x64x64xf32>
      %reshape3A = vector.shape_cast %broadcast_in_dim3A_73 : vector<64x64x64xf32> to vector<4096x64xf32>
      %iota3A_74 = tpu.iota {dimensions = array<i32: 0>} : vector<4096x64xi32>
      %iota3A_75 = tpu.iota {dimensions = array<i32: 1>} : vector<4096x64xi32>
      %jit3A = arith.constant 64 : i32
      %eq3A_76 = arith.constant 0 : i32
      %eq3A_77 = arith.cmpi eq, %jit3A, %eq3A_76 : i32
      %jit3A_78 = arith.constant 1 : i32
      %select_n3A = arith.select %eq3A_77, %jit3A_78, %jit3A : i32
      %rem3A = vector.broadcast %select_n3A : i32 to vector<4096x64xi32>
      %rem3A_79 = arith.remsi %iota3A_74, %rem3A : vector<4096x64xi32>
      %ne3A = arith.constant 0 : i32
      %ne3A_80 = vector.broadcast %ne3A : i32 to vector<4096x64xi32>
      %ne3A_81 = arith.cmpi ne, %rem3A_79, %ne3A_80 : vector<4096x64xi32>
      %lt3A_82 = arith.constant 0 : i32
      %lt3A_83 = vector.broadcast %lt3A_82 : i32 to vector<4096x64xi32>
      %lt3A_84 = arith.cmpi slt, %rem3A_79, %lt3A_83 : vector<4096x64xi32>
      %lt3A_85 = arith.constant 0 : i32
      %lt3A_86 = arith.cmpi slt, %select_n3A, %lt3A_85 : i32
      %ne3A_87 = vector.broadcast %lt3A_86 : i1 to vector<4096x64xi1>
      %ne3A_88 = vector.broadcast %ne3A_87 : vector<4096x64xi1> to vector<4096x64xi1>
      %ne3A_89 = arith.xori %lt3A_84, %ne3A_88 : vector<4096x64xi1>
      %and3A = arith.andi %ne3A_89, %ne3A_81 : vector<4096x64xi1>
      %add3A_90 = vector.broadcast %select_n3A : i32 to vector<4096x64xi32>
      %add3A_91 = arith.addi %rem3A_79, %add3A_90 : vector<4096x64xi32>
      %select_n3A_92 = arith.select %and3A, %add3A_91, %rem3A_79 : vector<4096x64xi1>, vector<4096x64xi32>
      %eq3A_93 = arith.cmpi eq, %select_n3A_92, %iota3A_75 : vector<4096x64xi32>
      %convert_element_type3A_94 = arith.extui %eq3A_93 : vector<4096x64xi1> to vector<4096x64xi32>
      %convert_element_type3A_95 = arith.sitofp %convert_element_type3A_94 : vector<4096x64xi32> to vector<4096x64xf32>
      %mul3A_96 = arith.mulf %reshape3A, %convert_element_type3A_95 : vector<4096x64xf32>
      %reduce_sum3A_97 = arith.constant dense<0.000000e+00> : vector<4096xf32>
      %reduce_sum3A_98 = vector.multi_reduction <add>, %mul3A_96, %reduce_sum3A_97 [1] : vector<4096x64xf32> to vector<4096xf32>
      %broadcast_in_dim3A_99 = vector.shape_cast %reduce_sum3A_98 : vector<4096xf32> to vector<4096x1xf32>
      %broadcast_in_dim3A_100 = vector.shape_cast %get3A_36 : vector<64x1xf32> to vector<64x1x1xf32>
      %broadcast_in_dim3A_101 = vector.shape_cast %broadcast_in_dim3A_100 : vector<64x1x1xf32> to vector<64x1x1xf32>
      %broadcast_in_dim3A_102 = vector.broadcast %broadcast_in_dim3A_101 : vector<64x1x1xf32> to vector<64x64x1xf32>
      %reshape3A_103 = vector.shape_cast %broadcast_in_dim3A_102 : vector<64x64x1xf32> to vector<4096x1xf32>
      %sub3A_104 = arith.constant 1.000000e+00 : f32
      %sub3A_105 = vector.broadcast %sub3A_104 : f32 to vector<4096x1xf32>
      %sub3A_106 = arith.subf %reshape3A_103, %sub3A_105 : vector<4096x1xf32>
      %max3A_107 = arith.constant 1.000000e+00 : f32
      %max3A_108 = vector.broadcast %max3A_107 : f32 to vector<4096x1xf32>
      %max3A_109 = arith.maximumf %sub3A_106, %max3A_108 : vector<4096x1xf32>
      %mul3A_110 = vector.broadcast %broadcast_in_dim3A_99 : vector<4096x1xf32> to vector<4096x64xf32>
      %mul3A_111 = arith.mulf %mul3A_110, %reshape3A : vector<4096x64xf32>
      %mul3A_112 = vector.broadcast %reshape3A_103 : vector<4096x1xf32> to vector<4096x64xf32>
      %mul3A_113 = arith.mulf %mul3A_112, %mul3A_111 : vector<4096x64xf32>
      %sub3A_114 = arith.subf %get3A_33, %mul3A_113 : vector<4096x64xf32>
      %div3A_115 = vector.broadcast %max3A_109 : vector<4096x1xf32> to vector<4096x64xf32>
      %div3A_116 = arith.divf %sub3A_114, %div3A_115 : vector<4096x64xf32>
      %get3A_117 = arith.constant 0 : index
      %get3A_118 = arith.constant 0 : index
      %get3A_119 = vector.load %arg9[%get3A_117, %get3A_118] : memref<4096x64xf32, #tpu.memory_space<vmem>>, vector<4096x64xf32>
      %sub3A_120 = arith.subf %div3A_116, %get3A_119 : vector<4096x64xf32>
      %integer_pow3A_121 = arith.mulf %sub3A_120, %sub3A_120 : vector<4096x64xf32>
      %reduce_sum3A_122 = vector.shape_cast %integer_pow3A_121 : vector<4096x64xf32> to vector<1x4096x64xf32>
      %reduce_sum3A_123 = arith.constant dense<0.000000e+00> : vector<1xf32>
      %reduce_sum3A_124 = vector.multi_reduction <add>, %reduce_sum3A_122, %reduce_sum3A_123 [1, 2] : vector<1x4096x64xf32> to vector<1xf32>
      %reduce_sum3A_125 = vector.shape_cast %reduce_sum3A_124 : vector<1xf32> to vector<1x1x1xf32>
      %reduce_sum3A_126 = vector.extract %reduce_sum3A_125[0, 0, 0] : f32 from vector<1x1x1xf32>
      %broadcast_in_dim3A_127 = vector.broadcast %reduce_sum3A_126 : f32 to vector<1x1xf32>
      %div3A_128 = arith.constant 2.621440e+05 : f32
      %div3A_129 = vector.broadcast %div3A_128 : f32 to vector<1x1xf32>
      %div3A_130 = arith.divf %broadcast_in_dim3A_127, %div3A_129 : vector<1x1xf32>
      %add3A_131 = arith.addf %div3A_56, %div3A_70 : vector<1x1xf32>
      %add3A_132 = arith.addf %add3A_131, %div3A_130 : vector<1x1xf32>
      %swap3A_133 = arith.constant 0 : index
      %swap3A_134 = arith.constant 0 : index
      %swap3A_135 = vector.load %arg10[%swap3A_133, %swap3A_134] : memref<1x1xf32, #tpu.memory_space<vmem>>, vector<1x1xf32>
      tpu.vector_store %arg10[%swap3A_133, %swap3A_134], %add3A_132 {strides = array<i32>} : memref<1x1xf32, #tpu.memory_space<vmem>>, vector<1x1xf32>,
    } else {
    }
    return
  }
  func.func @transform_0(%arg0: i32, %arg1: memref<64xi32, #tpu.memory_space<smem>>, %arg2: memref<64xi32, #tpu.memory_space<smem>>) -> (i32, i32) {
    %get3A = arith.index_cast %arg0 : i32 to index
    %get3A_0 = memref.load %arg1[%get3A] : memref<64xi32, #tpu.memory_space<smem>>
    %c0_i32 = arith.constant 0 : i32
    %c0_i32_1 = arith.constant 0 : i32
    return %get3A_0, %c0_i32 : i32, i32
  }
  func.func @transform_1(%arg0: i32, %arg1: memref<64xi32, #tpu.memory_space<smem>>, %arg2: memref<64xi32, #tpu.memory_space<smem>>) -> (i32, i32) {
    %get3A = arith.index_cast %arg0 : i32 to index
    %get3A_0 = memref.load %arg1[%get3A] : memref<64xi32, #tpu.memory_space<smem>>
    %c0_i32 = arith.constant 0 : i32
    %c0_i32_1 = arith.constant 0 : i32
    return %get3A_0, %c0_i32 : i32, i32
  }
  func.func @transform_2(%arg0: i32, %arg1: memref<64xi32, #tpu.memory_space<smem>>, %arg2: memref<64xi32, #tpu.memory_space<smem>>) -> (i32, i32) {
    %c0_i32 = arith.constant 0 : i32
    %c0_i32_0 = arith.constant 0 : i32
    %c0_i32_1 = arith.constant 0 : i32
    return %c0_i32, %c0_i32_0 : i32, i32
  }
  func.func @transform_3(%arg0: i32, %arg1: memref<64xi32, #tpu.memory_space<smem>>, %arg2: memref<64xi32, #tpu.memory_space<smem>>) -> (i32, i32) {
    %c0_i32 = arith.constant 0 : i32
    %c0_i32_0 = arith.constant 0 : i32
    %c0_i32_1 = arith.constant 0 : i32
    return %c0_i32, %c0_i32_0 : i32, i32
  }
  func.func @transform_4(%arg0: i32, %arg1: memref<64xi32, #tpu.memory_space<smem>>, %arg2: memref<64xi32, #tpu.memory_space<smem>>) -> (i32, i32) {
    %c0_i32 = arith.constant 0 : i32
    %c0_i32_0 = arith.constant 0 : i32
    %c0_i32_1 = arith.constant 0 : i32
    return %c0_i32, %c0_i32_0 : i32, i32
  }
  func.func @transform_5(%arg0: i32, %arg1: memref<64xi32, #tpu.memory_space<smem>>, %arg2: memref<64xi32, #tpu.memory_space<smem>>) -> (i32, i32) {
    %c0_i32 = arith.constant 0 : i32
    %c0_i32_0 = arith.constant 0 : i32
    %c0_i32_1 = arith.constant 0 : i32
    return %c0_i32, %c0_i32_0 : i32, i32
  }
  func.func @transform_6(%arg0: i32, %arg1: memref<64xi32, #tpu.memory_space<smem>>, %arg2: memref<64xi32, #tpu.memory_space<smem>>) -> (i32, i32) {
    %c0_i32 = arith.constant 0 : i32
    %c0_i32_0 = arith.constant 0 : i32
    %c0_i32_1 = arith.constant 0 : i32
    return %c0_i32, %c0_i32_0 : i32, i32
  }
  func.func @transform_7(%arg0: i32, %arg1: memref<64xi32, #tpu.memory_space<smem>>, %arg2: memref<64xi32, #tpu.memory_space<smem>>) -> (i32, i32) {
    %c0_i32 = arith.constant 0 : i32
    %c0_i32_0 = arith.constant 0 : i32
    %c0_i32_1 = arith.constant 0 : i32
    return %c0_i32, %c0_i32_0 : i32, i32
  }
}

</mosaic_0001>

<sc_bundles>
// kernel: kernel.6.cloned.1.call-start
scs
__scs_entry_jumppad:
0x0: {  	(pc) =	sbr.rel $0x88, $3  }
0x1: {  	(tag) =	ssettag $0x0;
	lr =	simm.s32 $0x1  }
0x2: {  	[smem:$0x3F9C] =	sst lr;
	_ =	strace $0xD0000000  }
0x3: {  	_ = 	snop  }
0x4: {  	_ = 	snop  }
0x5: {  	_ = 	snop  }
0x6: {  	_ = 	snop  }
0x7: {  	_ = 	snop  }
__scs_overlays_trampoline_lowered:
0x8: {  	[smem:$0x3FAB] =	sst s0  }
0x9: {  	[smem:$0x3FAC] =	sst s1  }
0xa: {  	[smem:$0x3FAD] =	sst s2  }
0xb: {  	[smem:$0x3FAE] =	sst s3  }
0xc: {  	[smem:$0x3FAF] =	sst s4  }
0xd: {  	[smem:$0x3FB0] =	sst s5  }
0xe: {  	[smem:$0x3FB1] =	sst s6  }
0xf: {  	[smem:$0x3FB2] =	sst s7  }
0x10: {  	[smem:$0x3FB3] =	sst s8  }
0x11: {  	[smem:$0x3FB4] =	sst s9;
	s0 =	simm.s32 @!p0 $0x0  }
0x12: {  	s1 =	sld [smem:$0x3F9A];
	s0 =	simm.s32 @p0 $0x1  }
0x13: {  	[smem:$0x3FB5] =	sst s0;
	s0 =	simm.s32 @!p1 $0x0  }
0x14: {  	s2 =	sld [smem:$0x3F99];
	s0 =	simm.s32 @p1 $0x1  }
0x15: {  	[smem:$0x3FB6] =	sst s0;
	s0 =	simm.s32 @!p2 $0x0  }
0x16: {  	s3 =	sld [smem:$0x3FDB];
	s0 =	simm.s32 @p2 $0x1  }
0x17: {  	s4 =	simm.s32 $0x1BF5;
	[smem:$0x3FB8] =	sst s0  }
0x18: {  	s0 =	sld [smem:$0x3F9B];
	_ =	swait.ge [sflag:s4], $0x0  }
0x19: {  	s7 =	sld [smem:$0x3F9C]  }
0x1a: {  	s8 =	sadd.s32 $0xFFFFE003, lr  }
0x1b: {  	s9 =	sadd.s32 $0xFFFFFEF7, lr;
	s5 =	simm.s32 $0xFFFFFFFF;
	p2 =	slt.u32 s8, $0xFFFFF086  }
0x1c: {  	p1 =	slt.u32 s9, $0xF7A;
	s5 =	simm.s32 @!p2 $0x0  }
0x1d: {  	s5 =	simm.s32 @p1 $0x1;
	p0 =	seq.s32 s7, s2  }
0x1e: {  	s7 =	smul.u32 @!p0 $0xF7A, s2;
	p2 =	seq.s32 @!p0 s5, $0x0  }
0x1f: {  	s9 =	smul.u32 $0xF7A, s1;
	s8 =	simm.s32 @!p0 $0x1BF5;
	p2 =	por !p2, p0  }
0x20: {  	[sflag:s8] =	ssyncset.s32 @!p0 $0xFFFFF086;
	s6 =	sadd.s32 @!p0 s3, s7;
	s7 =	simm.s32 @!p0 $0x108  }
0x21: {  	s3 =	sadd.s32 s3, s9;
	s6 =	sadd.s32 @!p0 $0x88, s6;
	s7 =	simm.s32 @p2 $0x1082  }
0x22: {  	[simem:s7], [sflag:s8] =	dma.local @!p0 [hbm:s6], $0xF7A  }
0x23: {  	s9 =	sor.u32 $0xD0000000, s2;
	s6 =	simm.s32 $0x108;
	_ =	swait.ge @!p0 [sflag:s8], $0x0  }
0x24: {  	s3 =	sadd.s32 $0x88, s3;
	s6 =	simm.s32 @!p1 $0x1082;
	[sflag:s4] =	ssyncset.s32 $0xFFFFF086  }
0x25: {  	[simem:s6], [sflag:s4] =	dma.local [hbm:s3], $0xF7A  }
0x26: {  	[smem:$0x3F9C] =	sst s1;
	(tag) =	ssettag s2;
	_ =	strace s9  }
0x27: {  	s1 =	sld [smem:$0x3FAC]  }
0x28: {  	s2 =	sld [smem:$0x3FAD]  }
0x29: {  	s4 =	sld [smem:$0x3FAF]  }
0x2a: {  	p0 =	seq.s32 s5, $0x0;
	s5 =	sld [smem:$0x3FB0]  }
0x2b: {  	s6 =	sld [smem:$0x3FB1]  }
0x2c: {  	s7 =	sld [smem:$0x3FB2]  }
0x2d: {  	s3 =	simm.s32 $0x108;
	s8 =	sld [smem:$0x3FB3]  }
0x2e: {  	s3 =	simm.s32 @!p0 $0x1082;
	s9 =	sld [smem:$0x3FB4]  }
0x2f: {  	lr =	sadd.s32 s0, s3;
	s0 =	sld [smem:$0x3FAB]  }
0x30: {  	s3 =	sld [smem:$0x3FAE]  }
0x31: {  	[smem:$0x3FB7] =	sst s10  }
0x32: {  	s10 =	sld [smem:$0x3FB5];
	_ =	sdelay $0x3  }
0x33: {  	p0 =	seq.s32 s10, $0x1;
	s10 =	sld [smem:$0x3FB7];
	_ =	sdelay $0x3  }
0x34: {  	[smem:$0x3FB7] =	sst s10  }
0x35: {  	s10 =	sld [smem:$0x3FB6];
	_ =	sdelay $0x3  }
0x36: {  	p1 =	seq.s32 s10, $0x1;
	s10 =	sld [smem:$0x3FB7];
	_ =	sdelay $0x3  }
0x37: {  	[smem:$0x3FB7] =	sst s10  }
0x38: {  	s10 =	sld [smem:$0x3FB8]  }
0x39: {  	_ = 	snop;
	(pc) =	sbr.ind lr, $3  }
0x3a: {  	_ = 	snop  }
0x3b: {  	_ = 	snop  }
0x3c: {  	p2 =	seq.s32 s10, $0x1;
	s10 =	sld [smem:$0x3FB7]  }
0x3d: {  	_ =	shalt  }
0x3e: {  	_ =	shalt  }
0x3f: {  	_ =	shalt  }
0x40: {  	_ =	shalt  }
0x41: {  	_ =	shalt  }
0x42: {  	_ =	shalt  }
0x43: {  	_ =	shalt  }
0x44: {  	_ =	shalt  }
0x45: {  	_ =	shalt  }
0x46: {  	_ =	shalt  }
0x47: {  	_ =	shalt  }
0x48: {  	_ =	shalt  }
0x49: {  	_ =	shalt  }
0x4a: {  	_ =	shalt  }
0x4b: {  	_ =	shalt  }
0x4c: {  	_ =	shalt  }
0x4d: {  	_ =	shalt  }
0x4e: {  	_ =	shalt  }
0x4f: {  	_ =	shalt  }
0x50: {  	_ =	shalt  }
0x51: {  	_ =	shalt  }
0x52: {  	_ =	shalt  }
0x53: {  	_ =	shalt  }
0x54: {  	_ =	shalt  }
0x55: {  	_ =	shalt  }
0x56: {  	_ =	shalt  }
0x57: {  	_ =	shalt  }
0x58: {  	_ =	shalt  }
0x59: {  	_ =	shalt  }
0x5a: {  	_ =	shalt  }
0x5b: {  	_ =	shalt  }
0x5c: {  	_ =	shalt  }
0x5d: {  	_ =	shalt  }
0x5e: {  	_ =	shalt  }
0x5f: {  	_ =	shalt  }
0x60: {  	_ =	shalt  }
0x61: {  	_ =	shalt  }
0x62: {  	_ =	shalt  }
0x63: {  	_ =	shalt  }
0x64: {  	_ =	shalt  }
0x65: {  	_ =	shalt  }
0x66: {  	_ =	shalt  }
0x67: {  	_ =	shalt  }
0x68: {  	_ =	shalt  }
0x69: {  	_ =	shalt  }
0x6a: {  	_ =	shalt  }
0x6b: {  	_ =	shalt  }
0x6c: {  	_ =	shalt  }
0x6d: {  	_ =	shalt  }
0x6e: {  	_ =	shalt  }
0x6f: {  	_ =	shalt  }
0x70: {  	_ =	shalt  }
0x71: {  	_ =	shalt  }
0x72: {  	_ =	shalt  }
0x73: {  	_ =	shalt  }
0x74: {  	_ =	shalt  }
0x75: {  	_ =	shalt  }
0x76: {  	_ =	shalt  }
0x77: {  	_ =	shalt  }
0x78: {  	_ =	shalt  }
0x79: {  	_ =	shalt  }
0x7a: {  	_ =	shalt  }
0x7b: {  	_ =	shalt  }
0x7c: {  	_ =	shalt  }
0x7d: {  	_ =	shalt  }
0x7e: {  	_ =	shalt  }
0x7f: {  	_ =	shalt  }
0x80: {  	_ =	shalt  }
0x81: {  	_ =	shalt  }
0x82: {  	_ =	shalt  }
0x83: {  	_ =	shalt  }
0x84: {  	_ =	shalt  }
0x85: {  	_ =	shalt  }
0x86: {  	_ =	shalt  }
0x87: {  	_ =	shalt  }
.Lfunc_end0:
.L_simem_size_0:
called_computation_lowered:
.L_overlay_start_0:
0x88: {  	s2 =	sld [smem:$0x3FD9]  }
0x89: {  	s3 =	sld [smem:$0x3FFE];
	_ =	sdelay $0x1  }
0x8a: {  	s1 =	srdreg.scid  }
0x8b: {  	s0 =	sand.u32 $0x1, s1  }
0x8c: {  	s16 =	sshll.u32 s0, $0xA;
	s2 =	sadd.s32 s3, s2  }
0x8d: {  	s2 =	sadd.s32 s2, s16  }
0x8e: {  	[smem:$0x3FC3] =	sst s2  }
0x8f: {  	_ = 	snop  }
0x90: {  	(tm) =	ssettm $0x1  }
0x91: {  	s17 =	sld [smem:$0x3FFB];
	_ =	sdelay $0x3  }
0x92: {  	_ =	strace s17  }
0x93: {  	s2 =	sld [smem:$0x3FFC];
	_ =	sdelay $0x3  }
0x94: {  	_ =	strace s2  }
0x95: {  	s2 =	sld [smem:$0x3FFD];
	_ =	sdelay $0x3  }
0x96: {  	_ =	strace s2  }
0x97: {  	_ =	strace $0x8FFFFFFF  }
0x98: {  	s18 =	sld [smem:$0x3FDB];
	_ =	sdelay $0x1  }
0x99: {  	s19 =	simm.s32 $_scs_section_size  }
0x9a: {  	s4 =	simm.s32 $_size__tile_overlayer_lowered;
	s5 =	simm.s32 $_tile_overlayer_lowered  }
0x9b: {  	s22 =	simm.s32 $0x1BFF;
	s21 =	sshll.u32 s5, $0x1;
	s2 =	sadd.s32 s19, s18  }
0x9c: {  	s6 =	simm.s32 $0x0;
	s20 =	sshll.u32 s4, $0x1;
	s4 =	sadd.s32 s21, s2  }
0x9d: {  	[timem:s6], [sflag:s22] =	dma.local [hbm:s4], s20  }
0x9e: {  	_ =	swait.ge [sflag:s22], s20  }
0x9f: {  	s3 =	ssub.s32 $0x0, s20;
	[sflag:s22] =	ssyncset.done $0x0  }
0xa0: {  	[sflag:s22] =	ssyncadd.s32 s3;
	_ =	sdelay $0x1  }
0xa1: {  	s23 =	simm.s32 $0x1B8B  }
0xa2: {  	_ =	swait.ge [sflag:s23], $0x1  }
0xa3: {  	[sflag:s23] =	ssyncset.done $0x0  }
0xa4: {  	s25 =	simm.s32 $0x1B8E;
	s24 =	sld [smem:$0x3FFE];
	[sflag:s23] =	ssyncadd.s32 $0xFFFFFFFF  }
0xa5: {  	s26 =	simm.s32 $execute0_lowered;
	[smem:$0x3FD2] =	sst s25  }
0xa6: {  	s4 =	sshll.u32 s26, $0x1;
	_ =	strace $0x80000046;
	[dreg:$0x1] =	wrdreg $0xFFFFFFFF  }
0xa7: {  	s28 =	simm.s32 $_size_execute0_lowered;
	s2 =	sadd.s32 s2, s4;
	[dreg:$0x0] =	wrdreg $0x0  }
0xa8: {  	s4 =	sshll.u32 s28, $0x1;
	[dreg:$0x2] =	wrdreg s2  }
0xa9: {  	[dreg:$0x3] =	wrdreg s4  }
0xaa: {  	[dreg:$0x4] =	wrdreg $0xC0  }
0xab: {  	_ =	task [dreg:s6], $0x5FFFF  }
0xac: {  	[dreg:$0x1] =	wrdreg $0xFFFFFFFF  }
0xad: {  	[dreg:$0x0] =	wrdreg $0x60  }
0xae: {  	[dreg:$0x2] =	wrdreg s24  }
0xaf: {  	[dreg:$0x3] =	wrdreg $0x9  }
0xb0: {  	_ =	task.clear_ibuf [dreg:s6], $0x4FFFF;
	_ =	strace $0x90000046  }
0xb1: {  	s29 =	simm.s32 $0x9;
	_ =	strace $0x80000048  }
0xb2: {  	_ =	swait.ge [sflag:s29], $0x1  }
0xb3: {  	[sflag:s29] =	ssyncadd.s32 $0xFFFFFFFF  }
0xb4: {  	_ =	strace $0x90000048  }
0xb5: {  	_ =	sfence  }
0xb6: {  	s30 =	sld [smem:$0x0];
	_ =	sdelay $0x2  }
0xb7: {  	s31 =	sshll.u32 s1, $0xD;
	s1 =	sshrl.u32 s1, $0x2  }
0xb8: {  	s3 =	sand.u32 $0x4000, s31;
	s1 =	sadd.s32 s1, s30  }
0xb9: {  	s0 =	sor.u32 s3, s0;
	s1 =	sshll.u32 s1, $0x11  }
0xba: {  	s0 =	sor.u32 s1, s0  }
0xbb: {  	s0 =	sadd.s32 $0x8F2B, s0  }
0xbc: {  	[sflag:s0] =	ssyncadd.remote.s32 $0x1  }
0xbd: {  	_ =	sfence.sel $0xFFFF  }
0xbe: {  	[dreg:$0x0] =	wrdreg $0xFFFFFFFF;
	(pc) =	sbr.abs _section_cstart, $3  }
0xbf: {  	[dreg:$0x1] =	wrdreg $0xFFFFFFFF  }
0xc0: {  	_ =	task.clear_ibuf [dreg:s6], $0x2FFFF;
	_ =	strace $0x9FFFFFFF  }
0xc1: {  	(tm) =	ssettm $0x7FFFFFFF  }
tec
execute0_lowered:
.L_overlay_start_1:
0x0: {  	(tag) =	ssettag $0x1  }
0x1: {  	s1 =	srdreg.scid  }
0x2: {  	s0 =	stileid.u32;
	s5 =	sand.u32 $0x1, s1  }
0x3: {  	s31 =	sshll.u32 s0, $0xA;
	s2 =	sshll.u32 s5, $0x9  }
0x4: {  	s7 =	rddreg [dreg:$0x0];
	s4 =	simm.s32 $0x2;
	s6 =	sor.u32 s2, s31  }
0x5: {  	s1 =	rddreg [dreg:$0x1];
	s2 =	simm.s32 $0x0;
	s3 =	sshrl.u32 s6, $0x3  }
0x6: {  	s8 =	ssub.s32 $0x2, s5;
	[smem:$0x7FF] =	sst s2;
	s3 =	sadd.s32 s3, s7  }
0x7: {  	s9 =	sshrl.u32 s8, $0x1;
	_ =	strace $0x80000047;
	s3 =	sadd.s32 $0x41200, s3  }
0x8: {  	[tilespmem:s2], [sflag:$0x2] =	stream.linear.gather [hbm4b:s3+s2], $0x200, $0x38;
	[tilespmem:$0x10200] =	vst v63  }
0x9: {  	s6 =	sshll.u32 s6, $0x4;
	s8 =	ssub.s32 s8, s9;
	_ =	swait.ge [sflag:s4], $0x200  }
0xa: {  	s6 =	sadd.s32 s6, s7;
	s9 =	smax.u32 s8, $0x1;
	[sflag:s4] =	ssyncset.done $0x0  }
0xb: {  	s5 =	sadd.s32 $0x1200, s6;
	s6 =	simm.s32 $0x200;
	[sflag:s4] =	ssyncadd.s32 $0xFFFFFE00  }
0xc: {  	[tilespmem:s6], [sflag:$0x2] =	stream.linear.gather [hbm4b:s5+s2], $0x10000, $0x38;
	[tilespmem:$0x10200] =	vst v63  }
0xd: {  	p0 =	sne.s32 s9, $0x1;
	_ =	swait.ge [sflag:s4], $0x10000  }
.Ltmp0:
0xe: {  	[sflag:s4] =	ssyncset.done $0x0;
	(pc) =	sbr.rel @!p0 .LBB2_2-.Ltmp0, $4  }
0xf: {  	s7 =	sadd.s32 $0x41A00, s7;
	s8 =	simm.s32 $0x1;
	[sflag:s4] =	ssyncadd.s32 $0xFFFF0000  }
0x10: {  	[hbm4b:s7+s6] =	stream.indirect.scatter [tilespmem:s6], [sflag:$0x1], $0x80, s2, s6, $0xb8;
	[tilespmem:$0x10200] =	vst v63  }
0x11: {  	_ =	swait.ge [sflag:s8], $0x10000  }
0x12: {  	s9 =	sadd.s32 $0xFFFFFFFF, s9;
	[sflag:s8] =	ssyncset.done $0x0  }
.LBB2_1:
0x13: {  	p0 =	sne.s32 s9, $0x1;
	s9 =	sadd.s32 $0xFFFFFFFF, s9;
	[sflag:s8] =	ssyncadd.s32 $0xFFFF0000  }
0x14: {  	[tilespmem:s2], [sflag:$0x2] =	stream.linear.gather [hbm4b:s3+s2], $0x200, $0x38;
	[tilespmem:$0x10200] =	vst v63  }
0x15: {  	_ =	swait.ge [sflag:s4], $0x200  }
0x16: {  	[sflag:s4] =	ssyncset.done $0x0  }
0x17: {  	[sflag:s4] =	ssyncadd.s32 $0xFFFFFE00  }
0x18: {  	[tilespmem:s6], [sflag:$0x2] =	stream.linear.gather [hbm4b:s5+s2], $0x10000, $0x38;
	[tilespmem:$0x10200] =	vst v63  }
0x19: {  	_ =	swait.ge [sflag:s4], $0x10000  }
.Ltmp1:
0x1a: {  	[sflag:s4] =	ssyncset.done $0x0;
	(pc) =	sbr.rel @p0 .LBB2_1-.Ltmp1, $4  }
0x1b: {  	[sflag:s4] =	ssyncadd.s32 $0xFFFF0000  }
0x1c: {  	[hbm4b:s7+s6] =	stream.indirect.scatter [tilespmem:s6], [sflag:$0x1], $0x80, s2, s6, $0xb8;
	[tilespmem:$0x10200] =	vst v63  }
0x1d: {  	_ =	swait.ge [sflag:s8], $0x10000  }
0x1e: {  	[sflag:s8] =	ssyncset.done $0x0  }
.LBB2_2:
0x1f: {  	[sflag:s8] =	ssyncadd.s32 $0xFFFF0000  }
0x20: {  	_ =	sfence.sel $0x180000  }
0x21: {  	[bflag:$0x0] =	sbarrier.arrive $0xFFFF  }
0x22: {  	p0 =	sne.s32 s0, $0x0;
	_ =	strace $0x90000047  }
0x23: {  	s0 =	sadd.s32 @!p0 $0x100000, s1;
	[bflag:$0x2] =	sbarrier.arrive $0xFFFF  }
0x24: {  	[sflag:s0] =	ssyncadd.tile.s32 @!p0 $0x1;
	_ =	shalt  }
.Lfunc_end2:
_tile_overlayer_lowered:
.L_overlay_start_2:
0x25: {  	(tag) =	ssettag $0x2  }
0x26: {  	s0 =	rddreg [dreg:$0x0];
	s2 =	stileid.u32  }
0x27: {  	s1 =	rddreg [dreg:$0x1];
	p0 =	sne.s32 s2, $0x0  }
0x28: {  	s3 =	rddreg [dreg:$0x2];
	[bflag:$0x3] =	sbarrier.arrive $0xFFFF;
	s2 =	simm.s32 @!p0 $0x1C02  }
0x29: {  	[timem:s3], [sflag:s2] =	dma.local @!p0 [hbm:s0], s1  }
0x2a: {  	s0 =	simm.s32 @!p0 $0x2  }
0x2b: {  	_ =	swait.ge @!p0 [sflag:s0], s1  }
0x2c: {  	s1 =	ssub.s32 @!p0 $0x0, s1;
	[sflag:s0] =	ssyncset.done @!p0 $0x0  }
0x2d: {  	[sflag:s0] =	ssyncadd.s32 @!p0 s1  }
0x2e: {  	[bflag:$0x3] =	sbarrier.arrive $0xFFFF  }
0x2f: {  	_ =	shalt  }

</sc_bundles>
